<compile_context>
chip_gen: v7x
topology: tpu7x:2x2x1
jax: 0.10.2.dev20260603
libtpu: 0.0.44.dev20260713+nightly
codegen_flags: <defaults>
</compile_context>

<pallas_src>
import jax
import jax.numpy as jnp
from jax.experimental import pallas as pl
from jax.experimental.pallas import tpu as pltpu

_N = 5000
_B = 128
_R = 40
_NP = _R * _B
_T = 0.5


def _nms_body(x1r, y1r, x2r, y2r, ar, sr,
              x1t, y1t, x2t, y2t, at,
              out,
              sup):
    lane = jax.lax.broadcasted_iota(jnp.int32, (1, _B), 1)

    sup[...] = jnp.zeros((_R, _B), jnp.float32)

    def block_step(r, _):
        oh = (jax.lax.broadcasted_iota(jnp.int32, (_B, _R), 1) == r).astype(
            jnp.float32)
        cx1 = jnp.sum(x1t[...] * oh, axis=1, keepdims=True)
        cy1 = jnp.sum(y1t[...] * oh, axis=1, keepdims=True)
        cx2 = jnp.sum(x2t[...] * oh, axis=1, keepdims=True)
        cy2 = jnp.sum(y2t[...] * oh, axis=1, keepdims=True)
        ca = jnp.sum(at[...] * oh, axis=1, keepdims=True)

        def ov_tile(rr):
            jx1 = x1r[pl.ds(rr, 1), :]
            jy1 = y1r[pl.ds(rr, 1), :]
            jx2 = x2r[pl.ds(rr, 1), :]
            jy2 = y2r[pl.ds(rr, 1), :]
            ja = ar[pl.ds(rr, 1), :]
            w = jnp.maximum(0.0, jnp.minimum(cx2, jx2) - jnp.maximum(cx1, jx1))
            h = jnp.maximum(0.0, jnp.minimum(cy2, jy2) - jnp.maximum(cy1, jy1))
            inter = w * h
            iou = inter / (ca + ja - inter)
            return (iou > _T).astype(jnp.float32)

        rowi = jax.lax.broadcasted_iota(jnp.int32, (_B, _B), 0)
        coli = jax.lax.broadcasted_iota(jnp.int32, (_B, _B), 1)
        pf = ov_tile(r) * (coli > rowi).astype(jnp.float32)
        notsup0 = 1.0 - sup[pl.ds(r, 1), :]

        def jac_cond(state):
            return state[1]

        def jac_body(state):
            k, _ = state
            supped = (jnp.dot(k, pf, preferred_element_type=jnp.float32)
                      > 0.5).astype(jnp.float32)
            knew = notsup0 * (1.0 - supped)
            return knew, jnp.any(knew != k)

        keepb, _ = jax.lax.while_loop(jac_cond, jac_body, (notsup0, True))
        out[pl.ds(r, 1), :] = sr[pl.ds(r, 1), :] * keepb

        def later4(t, _):
            base = r + 1 + 8 * t
            for u in range(8):
                rr = jnp.minimum(base + u, _R - 1)
                ovf = ov_tile(rr)
                supadd = jnp.dot(keepb, ovf,
                                 preferred_element_type=jnp.float32)
                srow = sup[pl.ds(rr, 1), :]
                sup[pl.ds(rr, 1), :] = jnp.maximum(
                    srow, (supadd > 0.5).astype(jnp.float32))
            return 0

        nchunks = (_R - 1 - r + 7) // 8
        jax.lax.fori_loop(0, nchunks, later4, 0)
        return 0

    jax.lax.fori_loop(0, _R, block_step, 0)


def kernel(boxes, scores):
    order = jnp.argsort(-scores)
    area = (boxes[:, 2] - boxes[:, 0]) * (boxes[:, 3] - boxes[:, 1])
    packed = jnp.concatenate(
        [boxes, area[:, None], scores[:, None]], axis=1)
    g = jnp.take(packed, order, axis=0)
    pad_rows = jnp.tile(jnp.array([[-1e6, -1e6, -1e6 + 1.0, -1e6 + 1.0,
                                    1.0, 0.0]], dtype=jnp.float32),
                        (_NP - _N, 1))
    gp = jnp.concatenate([g, pad_rows], axis=0)
    cols = [gp[:, i].reshape(_R, _B) for i in range(6)]
    args = tuple(cols) + tuple(c.T for c in cols[:5])
    out = pl.pallas_call(
        _nms_body,
        out_shape=jax.ShapeDtypeStruct((_R, _B), jnp.float32),
        scratch_shapes=[pltpu.VMEM((_R, _B), jnp.float32)],
    )(*args)
    return out.reshape(_NP)[:_N]

# --- scband reference (transcript-rebuilt; emitter-appended) ---
"""Pipeline reference for scband-faster-rcnn-16913581211798 (READ-ONLY COPY).

The authoritative reference and input builder live on the scoring server;
editing this copy changes nothing except your own understanding.
"""

import jax, jax.numpy as jnp
import numpy as np

N = 5000
IOU_THRESH = 0.5


def setup_inputs(seed: int = 0) -> dict:
    key = jax.random.key(seed)
    k1, k2, k3 = jax.random.split(key, 3)
    # Valid XYXY boxes: top-left corner uniform in [0, 1000), width/height in [1, 101)
    xy = jax.random.uniform(k1, (N, 2), dtype=jnp.float32) * 1000.0
    wh = jax.random.uniform(k2, (N, 2), dtype=jnp.float32) * 100.0 + 1.0
    boxes = jnp.concatenate([xy, xy + wh], axis=1)
    scores = jax.random.uniform(k3, (N,), dtype=jnp.float32)
    return {"boxes": boxes, "scores": scores}


def pairwise_iou(boxes1, boxes2):
    # Faithful translation of the torch `iou` helper in FasterRCNN codebase.
    b1 = boxes1[:, None, :]
    b2 = boxes2[None, :, :]
    x1, y1, x2, y2 = b1[:, :, 0], b1[:, :, 1], b1[:, :, 2], b1[:, :, 3]
    xx1, yy1, xx2, yy2 = b2[:, :, 0], b2[:, :, 1], b2[:, :, 2], b2[:, :, 3]
    areas1 = (x2 - x1) * (y2 - y1)
    areas2 = (xx2 - xx1) * (yy2 - yy1)
    x1_max = jnp.maximum(x1, xx1)
    y1_max = jnp.maximum(y1, yy1)
    x2_min = jnp.minimum(x2, xx2)
    y2_min = jnp.minimum(y2, yy2)
    w = jnp.maximum(jnp.zeros_like(x1_max), x2_min - x1_max)
    h = jnp.maximum(jnp.zeros_like(y1_max), y2_min - y1_max)
    inter = w * h
    return inter / (areas1 + areas2 - inter)


def reference(boxes, scores):
    # Greedy class-agnostic NMS as used at FasterRCNN inference time.
    order = jnp.argsort(-scores)
    b = jnp.take(boxes, order, axis=0)
    s = jnp.take(scores, order, axis=0)
    ious = pairwise_iou(b, b)
    overlap = ious > IOU_THRESH
    n = s.shape[0]
    idx = jnp.arange(n)

    def body(i, keep):
        # box i is suppressed if any earlier kept box overlaps it above threshold
        suppressed = jnp.any(overlap[i] & keep & (idx < i))
        return keep.at[i].set(jnp.logical_not(suppressed))

    keep = jax.lax.fori_loop(0, n, body, jnp.ones((n,), dtype=bool))
    # Return surviving scores (sorted order); suppressed entries zeroed.
    kept_scores = jnp.where(keep, s, jnp.zeros_like(s))
    return kept_scores

if __name__ == "__main__":
    import jax
    _d = setup_inputs()
    print(jax.jit(kernel)(*tuple(_d.values())))

</pallas_src>

<mosaic_0001>
module attributes {stable_mosaic.version = 14 : i64} {
  func.func @_nms_body(%arg0: memref<40x128xf32, #tpu.memory_space<vmem>>, %arg1: memref<40x128xf32, #tpu.memory_space<vmem>>, %arg2: memref<40x128xf32, #tpu.memory_space<vmem>>, %arg3: memref<40x128xf32, #tpu.memory_space<vmem>>, %arg4: memref<40x128xf32, #tpu.memory_space<vmem>>, %arg5: memref<40x128xf32, #tpu.memory_space<vmem>>, %arg6: memref<128x40xf32, #tpu.memory_space<vmem>>, %arg7: memref<128x40xf32, #tpu.memory_space<vmem>>, %arg8: memref<128x40xf32, #tpu.memory_space<vmem>>, %arg9: memref<128x40xf32, #tpu.memory_space<vmem>>, %arg10: memref<128x40xf32, #tpu.memory_space<vmem>>, %arg11: memref<40x128xf32, #tpu.memory_space<vmem>>, %arg12: memref<40x128xf32, #tpu.memory_space<vmem>>) attributes {dimension_semantics = [], scalar_prefetch = 0 : i64, scratch_operands = 1 : i64, tpu.core_type = #tpu.core_type<tc>} {
    %broadcast_in_dim3A = arith.constant 0.000000e+00 : f32
    %broadcast_in_dim3A_0 = vector.broadcast %broadcast_in_dim3A : f32 to vector<40x128xf32>
    %swap3A = arith.constant 0 : index
    %swap3A_1 = arith.constant 0 : index
    %swap3A_2 = vector.load %arg12[%swap3A, %swap3A_1] : memref<40x128xf32, #tpu.memory_space<vmem>>, vector<40x128xf32>
    tpu.vector_store %arg12[%swap3A, %swap3A_1], %broadcast_in_dim3A_0 {strides = array<i32>} : memref<40x128xf32, #tpu.memory_space<vmem>>, vector<40x128xf32>,
    %scan3A = arith.constant 0 : i32
    %scan3A_3 = arith.constant 40 : i32
    %scan3A_4 = arith.addi %scan3A, %scan3A_3 : i32
    %scan3A_5 = arith.constant 1 : i32
    scf.for %scan3A_7 = %scan3A to %scan3A_4 step %scan3A_5  : i32 {
      %iota3A = tpu.iota {dimensions = array<i32: 1>} : vector<128x40xi32>
      %eq3A = vector.broadcast %scan3A_7 : i32 to vector<128x40xi32>
      %eq3A_8 = arith.cmpi eq, %iota3A, %eq3A : vector<128x40xi32>
      %convert_element_type3A = arith.extui %eq3A_8 : vector<128x40xi1> to vector<128x40xi32>
      %convert_element_type3A_9 = arith.sitofp %convert_element_type3A : vector<128x40xi32> to vector<128x40xf32>
      %get3A = arith.constant 0 : index
      %get3A_10 = arith.constant 0 : index
      %get3A_11 = vector.load %arg6[%get3A, %get3A_10] : memref<128x40xf32, #tpu.memory_space<vmem>>, vector<128x40xf32>
      %mul3A = arith.mulf %get3A_11, %convert_element_type3A_9 : vector<128x40xf32>
      %reduce_sum3A = arith.constant dense<0.000000e+00> : vector<128xf32>
      %reduce_sum3A_12 = vector.multi_reduction <add>, %mul3A, %reduce_sum3A [1] : vector<128x40xf32> to vector<128xf32>
      %broadcast_in_dim3A_13 = vector.shape_cast %reduce_sum3A_12 : vector<128xf32> to vector<128x1xf32>
      %get3A_14 = arith.constant 0 : index
      %get3A_15 = arith.constant 0 : index
      %get3A_16 = vector.load %arg7[%get3A_14, %get3A_15] : memref<128x40xf32, #tpu.memory_space<vmem>>, vector<128x40xf32>
      %mul3A_17 = arith.mulf %get3A_16, %convert_element_type3A_9 : vector<128x40xf32>
      %reduce_sum3A_18 = arith.constant dense<0.000000e+00> : vector<128xf32>
      %reduce_sum3A_19 = vector.multi_reduction <add>, %mul3A_17, %reduce_sum3A_18 [1] : vector<128x40xf32> to vector<128xf32>
      %broadcast_in_dim3A_20 = vector.shape_cast %reduce_sum3A_19 : vector<128xf32> to vector<128x1xf32>
      %get3A_21 = arith.constant 0 : index
      %get3A_22 = arith.constant 0 : index
      %get3A_23 = vector.load %arg8[%get3A_21, %get3A_22] : memref<128x40xf32, #tpu.memory_space<vmem>>, vector<128x40xf32>
      %mul3A_24 = arith.mulf %get3A_23, %convert_element_type3A_9 : vector<128x40xf32>
      %reduce_sum3A_25 = arith.constant dense<0.000000e+00> : vector<128xf32>
      %reduce_sum3A_26 = vector.multi_reduction <add>, %mul3A_24, %reduce_sum3A_25 [1] : vector<128x40xf32> to vector<128xf32>
      %broadcast_in_dim3A_27 = vector.shape_cast %reduce_sum3A_26 : vector<128xf32> to vector<128x1xf32>
      %get3A_28 = arith.constant 0 : index
      %get3A_29 = arith.constant 0 : index
      %get3A_30 = vector.load %arg9[%get3A_28, %get3A_29] : memref<128x40xf32, #tpu.memory_space<vmem>>, vector<128x40xf32>
      %mul3A_31 = arith.mulf %get3A_30, %convert_element_type3A_9 : vector<128x40xf32>
      %reduce_sum3A_32 = arith.constant dense<0.000000e+00> : vector<128xf32>
      %reduce_sum3A_33 = vector.multi_reduction <add>, %mul3A_31, %reduce_sum3A_32 [1] : vector<128x40xf32> to vector<128xf32>
      %broadcast_in_dim3A_34 = vector.shape_cast %reduce_sum3A_33 : vector<128xf32> to vector<128x1xf32>
      %get3A_35 = arith.constant 0 : index
      %get3A_36 = arith.constant 0 : index
      %get3A_37 = vector.load %arg10[%get3A_35, %get3A_36] : memref<128x40xf32, #tpu.memory_space<vmem>>, vector<128x40xf32>
      %mul3A_38 = arith.mulf %get3A_37, %convert_element_type3A_9 : vector<128x40xf32>
      %reduce_sum3A_39 = arith.constant dense<0.000000e+00> : vector<128xf32>
      %reduce_sum3A_40 = vector.multi_reduction <add>, %mul3A_38, %reduce_sum3A_39 [1] : vector<128x40xf32> to vector<128xf32>
      %broadcast_in_dim3A_41 = vector.shape_cast %reduce_sum3A_40 : vector<128xf32> to vector<128x1xf32>
      %iota3A_42 = tpu.iota {dimensions = array<i32: 0>} : vector<128x128xi32>
      %iota3A_43 = tpu.iota {dimensions = array<i32: 1>} : vector<128x128xi32>
      %get3A_44 = arith.index_cast %scan3A_7 : i32 to index
      %get3A_45 = arith.constant 0 : index
      %get3A_46 = vector.load %arg0[%get3A_44, %get3A_45] : memref<40x128xf32, #tpu.memory_space<vmem>>, vector<1x128xf32>
      %get3A_47 = arith.index_cast %scan3A_7 : i32 to index
      %get3A_48 = arith.constant 0 : index
      %get3A_49 = vector.load %arg1[%get3A_47, %get3A_48] : memref<40x128xf32, #tpu.memory_space<vmem>>, vector<1x128xf32>
      %get3A_50 = arith.index_cast %scan3A_7 : i32 to index
      %get3A_51 = arith.constant 0 : index
      %get3A_52 = vector.load %arg2[%get3A_50, %get3A_51] : memref<40x128xf32, #tpu.memory_space<vmem>>, vector<1x128xf32>
      %get3A_53 = arith.index_cast %scan3A_7 : i32 to index
      %get3A_54 = arith.constant 0 : index
      %get3A_55 = vector.load %arg3[%get3A_53, %get3A_54] : memref<40x128xf32, #tpu.memory_space<vmem>>, vector<1x128xf32>
      %get3A_56 = arith.index_cast %scan3A_7 : i32 to index
      %get3A_57 = arith.constant 0 : index
      %get3A_58 = vector.load %arg4[%get3A_56, %get3A_57] : memref<40x128xf32, #tpu.memory_space<vmem>>, vector<1x128xf32>
      %min3A = vector.broadcast %broadcast_in_dim3A_27 : vector<128x1xf32> to vector<128x128xf32>
      %min3A_59 = vector.broadcast %get3A_52 : vector<1x128xf32> to vector<128x128xf32>
      %min3A_60 = arith.minimumf %min3A, %min3A_59 : vector<128x128xf32>
      %max3A = vector.broadcast %broadcast_in_dim3A_13 : vector<128x1xf32> to vector<128x128xf32>
      %max3A_61 = vector.broadcast %get3A_46 : vector<1x128xf32> to vector<128x128xf32>
      %max3A_62 = arith.maximumf %max3A, %max3A_61 : vector<128x128xf32>
      %sub3A = arith.subf %min3A_60, %max3A_62 : vector<128x128xf32>
      %max3A_63 = arith.constant 0.000000e+00 : f32
      %max3A_64 = vector.broadcast %max3A_63 : f32 to vector<128x128xf32>
      %max3A_65 = arith.maximumf %max3A_64, %sub3A : vector<128x128xf32>
      %min3A_66 = vector.broadcast %broadcast_in_dim3A_34 : vector<128x1xf32> to vector<128x128xf32>
      %min3A_67 = vector.broadcast %get3A_55 : vector<1x128xf32> to vector<128x128xf32>
      %min3A_68 = arith.minimumf %min3A_66, %min3A_67 : vector<128x128xf32>
      %max3A_69 = vector.broadcast %broadcast_in_dim3A_20 : vector<128x1xf32> to vector<128x128xf32>
      %max3A_70 = vector.broadcast %get3A_49 : vector<1x128xf32> to vector<128x128xf32>
      %max3A_71 = arith.maximumf %max3A_69, %max3A_70 : vector<128x128xf32>
      %sub3A_72 = arith.subf %min3A_68, %max3A_71 : vector<128x128xf32>
      %max3A_73 = arith.constant 0.000000e+00 : f32
      %max3A_74 = vector.broadcast %max3A_73 : f32 to vector<128x128xf32>
      %max3A_75 = arith.maximumf %max3A_74, %sub3A_72 : vector<128x128xf32>
      %mul3A_76 = arith.mulf %max3A_65, %max3A_75 : vector<128x128xf32>
      %add3A = vector.broadcast %broadcast_in_dim3A_41 : vector<128x1xf32> to vector<128x128xf32>
      %add3A_77 = vector.broadcast %get3A_58 : vector<1x128xf32> to vector<128x128xf32>
      %add3A_78 = arith.addf %add3A, %add3A_77 : vector<128x128xf32>
      %sub3A_79 = arith.subf %add3A_78, %mul3A_76 : vector<128x128xf32>
      %div3A = arith.divf %mul3A_76, %sub3A_79 : vector<128x128xf32>
      %gt3A = arith.constant 5.000000e-01 : f32
      %gt3A_80 = vector.broadcast %gt3A : f32 to vector<128x128xf32>
      %gt3A_81 = arith.cmpf ogt, %div3A, %gt3A_80 : vector<128x128xf32>
      %convert_element_type3A_82 = arith.extui %gt3A_81 : vector<128x128xi1> to vector<128x128xi32>
      %convert_element_type3A_83 = arith.sitofp %convert_element_type3A_82 : vector<128x128xi32> to vector<128x128xf32>
      %gt3A_84 = arith.cmpi sgt, %iota3A_43, %iota3A_42 : vector<128x128xi32>
      %convert_element_type3A_85 = arith.extui %gt3A_84 : vector<128x128xi1> to vector<128x128xi32>
      %convert_element_type3A_86 = arith.sitofp %convert_element_type3A_85 : vector<128x128xi32> to vector<128x128xf32>
      %mul3A_87 = arith.mulf %convert_element_type3A_83, %convert_element_type3A_86 : vector<128x128xf32>
      %get3A_88 = arith.index_cast %scan3A_7 : i32 to index
      %get3A_89 = arith.constant 0 : index
      %get3A_90 = vector.load %arg12[%get3A_88, %get3A_89] : memref<40x128xf32, #tpu.memory_space<vmem>>, vector<1x128xf32>
      %sub3A_91 = arith.constant 1.000000e+00 : f32
      %sub3A_92 = vector.broadcast %sub3A_91 : f32 to vector<1x128xf32>
      %sub3A_93 = arith.subf %sub3A_92, %get3A_90 : vector<1x128xf32>
      %while3A = arith.constant true
      %while3A_94:2 = scf.while (%while3A_136 = %sub3A_93, %while3A_137 = %while3A) : (vector<1x128xf32>, i1) -> (vector<1x128xf32>, i1) {
        scf.condition(%while3A_137) %while3A_136, %while3A_137 : vector<1x128xf32>, i1
      } do {
      ^bb0(%while3A_136: vector<1x128xf32>, %while3A_137: i1):
        %dot_general3A = arith.constant dense<0.000000e+00> : vector<1x128xf32>
        %dot_general3A_138 = tpu.matmul %while3A_136, %mul3A_87, %dot_general3A {dimension_numbers = #tpu.dot_dimension_numbers<[1], [0], [0], [1], [0, 0, 1, 1], [], []>, transpose_lhs_hint = false} : vector<1x128xf32>, vector<128x128xf32>, vector<1x128xf32> -> vector<1x128xf32>
        %gt3A_139 = arith.constant 5.000000e-01 : f32
        %gt3A_140 = vector.broadcast %gt3A_139 : f32 to vector<1x128xf32>
        %gt3A_141 = arith.cmpf ogt, %dot_general3A_138, %gt3A_140 : vector<1x128xf32>
        %convert_element_type3A_142 = arith.extui %gt3A_141 : vector<1x128xi1> to vector<1x128xi32>
        %convert_element_type3A_143 = arith.sitofp %convert_element_type3A_142 : vector<1x128xi32> to vector<1x128xf32>
        %sub3A_144 = arith.constant 1.000000e+00 : f32
        %sub3A_145 = vector.broadcast %sub3A_144 : f32 to vector<1x128xf32>
        %sub3A_146 = arith.subf %sub3A_145, %convert_element_type3A_143 : vector<1x128xf32>
        %mul3A_147 = arith.mulf %sub3A_93, %sub3A_146 : vector<1x128xf32>
        %ne3A_148 = arith.cmpf one, %mul3A_147, %while3A_136 : vector<1x128xf32>
        %reduce_or3A = arith.constant 1.000000e+00 : f32
        %reduce_or3A_149 = arith.constant 0.000000e+00 : f32
        %reduce_or3A_150 = vector.broadcast %reduce_or3A : f32 to vector<1x128xf32>
        %reduce_or3A_151 = vector.broadcast %reduce_or3A_149 : f32 to vector<1x128xf32>
        %reduce_or3A_152 = arith.select %ne3A_148, %reduce_or3A_150, %reduce_or3A_151 : vector<1x128xi1>, vector<1x128xf32>
        %reduce_or3A_153 = vector.shape_cast %reduce_or3A_152 : vector<1x128xf32> to vector<1x1x128xf32>
        %reduce_or3A_154 = arith.constant dense<0xFF800000> : vector<1xf32>
        %reduce_or3A_155 = vector.multi_reduction <maximumf>, %reduce_or3A_153, %reduce_or3A_154 [1, 2] : vector<1x1x128xf32> to vector<1xf32>
        %reduce_or3A_156 = vector.shape_cast %reduce_or3A_155 : vector<1xf32> to vector<1x1x1xf32>
        %reduce_or3A_157 = vector.extract %reduce_or3A_156[0, 0, 0] : f32 from vector<1x1x1xf32>
        %reduce_or3A_158 = arith.constant 0.000000e+00 : f32
        %reduce_or3A_159 = arith.cmpf ogt, %reduce_or3A_157, %reduce_or3A_158 : f32
        scf.yield %mul3A_147, %reduce_or3A_159 : vector<1x128xf32>, i1
      }
      %get3A_95 = arith.index_cast %scan3A_7 : i32 to index
      %get3A_96 = arith.constant 0 : index
      %get3A_97 = vector.load %arg5[%get3A_95, %get3A_96] : memref<40x128xf32, #tpu.memory_space<vmem>>, vector<1x128xf32>
      %mul3A_98 = arith.mulf %get3A_97, %while3A_94#0 : vector<1x128xf32>
      %swap3A_99 = arith.index_cast %scan3A_7 : i32 to index
      %swap3A_100 = arith.constant 0 : index
      %swap3A_101 = vector.load %arg11[%swap3A_99, %swap3A_100] : memref<40x128xf32, #tpu.memory_space<vmem>>, vector<1x128xf32>
      tpu.vector_store %arg11[%swap3A_99, %swap3A_100], %mul3A_98 {strides = array<i32>} : memref<40x128xf32, #tpu.memory_space<vmem>>, vector<1x128xf32>,
      %sub3A_102 = arith.constant 39 : i32
      %sub3A_103 = arith.subi %sub3A_102, %scan3A_7 : i32
      %add3A_104 = arith.constant 7 : i32
      %add3A_105 = arith.addi %sub3A_103, %add3A_104 : i32
      %jit3A = arith.constant 8 : i32
      %div3A_106 = arith.divsi %add3A_105, %jit3A : i32
      %sign3A = arith.constant 0 : i32
      %sign3A_107 = arith.cmpi sgt, %add3A_105, %sign3A : i32
      %sign3A_108 = arith.extui %sign3A_107 : i1 to i32
      %sign3A_109 = arith.constant 0 : i32
      %sign3A_110 = arith.cmpi slt, %add3A_105, %sign3A_109 : i32
      %sign3A_111 = arith.extui %sign3A_110 : i1 to i32
      %sign3A_112 = arith.subi %sign3A_108, %sign3A_111 : i32
      %sign3A_113 = arith.constant 0 : i32
      %sign3A_114 = arith.cmpi sgt, %jit3A, %sign3A_113 : i32
      %sign3A_115 = arith.extui %sign3A_114 : i1 to i32
      %sign3A_116 = arith.constant 0 : i32
      %sign3A_117 = arith.cmpi slt, %jit3A, %sign3A_116 : i32
      %sign3A_118 = arith.extui %sign3A_117 : i1 to i32
      %sign3A_119 = arith.subi %sign3A_115, %sign3A_118 : i32
      %ne3A = arith.cmpi ne, %sign3A_112, %sign3A_119 : i32
      %rem3A = arith.remsi %add3A_105, %jit3A : i32
      %ne3A_120 = arith.constant 0 : i32
      %ne3A_121 = arith.cmpi ne, %rem3A, %ne3A_120 : i32
      %and3A = arith.andi %ne3A, %ne3A_121 : i1
      %sub3A_122 = arith.constant 1 : i32
      %sub3A_123 = arith.subi %div3A_106, %sub3A_122 : i32
      %select_n3A = arith.select %and3A, %sub3A_123, %div3A_106 : i32
      %while3A_124 = arith.constant 0 : i32
      %while3A_125 = arith.constant 0 : i32
      %while3A_126 = arith.subi %select_n3A, %while3A_124 : i32
      %while3A_127 = arith.addi %while3A_124, %while3A_126 : i32
      %while3A_128 = arith.constant 1 : i32
      %while3A_129 = arith.divsi %while3A_126, %while3A_128 : i32
      %while3A_130 = arith.muli %while3A_129, %while3A_128 : i32
      %while3A_131 = arith.addi %while3A_124, %while3A_130 : i32
      %while3A_132 = arith.constant 1 : i32
      %while3A_133 = scf.for %while3A_136 = %while3A_124 to %while3A_131 step %while3A_132 iter_args(%while3A_137 = %while3A_125) -> (i32)  : i32 {
        %add3A_138 = arith.constant 1 : i32
        %add3A_139 = arith.addi %scan3A_7, %add3A_138 : i32
        %mul3A_140 = arith.constant 8 : i32
        %mul3A_141 = arith.muli %mul3A_140, %while3A_136 : i32
        %add3A_142 = arith.addi %add3A_139, %mul3A_141 : i32
        %add3A_143 = arith.constant 0 : i32
        %add3A_144 = arith.addi %add3A_142, %add3A_143 : i32
        %min3A_145 = arith.constant 39 : i32
        %min3A_146 = arith.minsi %add3A_144, %min3A_145 : i32
        %get3A_147 = arith.index_cast %min3A_146 : i32 to index
        %get3A_148 = arith.constant 0 : index
        %get3A_149 = vector.load %arg0[%get3A_147, %get3A_148] : memref<40x128xf32, #tpu.memory_space<vmem>>, vector<1x128xf32>
        %get3A_150 = arith.index_cast %min3A_146 : i32 to index
        %get3A_151 = arith.constant 0 : index
        %get3A_152 = vector.load %arg1[%get3A_150, %get3A_151] : memref<40x128xf32, #tpu.memory_space<vmem>>, vector<1x128xf32>
        %get3A_153 = arith.index_cast %min3A_146 : i32 to index
        %get3A_154 = arith.constant 0 : index
        %get3A_155 = vector.load %arg2[%get3A_153, %get3A_154] : memref<40x128xf32, #tpu.memory_space<vmem>>, vector<1x128xf32>
        %get3A_156 = arith.index_cast %min3A_146 : i32 to index
        %get3A_157 = arith.constant 0 : index
        %get3A_158 = vector.load %arg3[%get3A_156, %get3A_157] : memref<40x128xf32, #tpu.memory_space<vmem>>, vector<1x128xf32>
        %get3A_159 = arith.index_cast %min3A_146 : i32 to index
        %get3A_160 = arith.constant 0 : index
        %get3A_161 = vector.load %arg4[%get3A_159, %get3A_160] : memref<40x128xf32, #tpu.memory_space<vmem>>, vector<1x128xf32>
        %min3A_162 = vector.broadcast %broadcast_in_dim3A_27 : vector<128x1xf32> to vector<128x128xf32>
        %min3A_163 = vector.broadcast %get3A_155 : vector<1x128xf32> to vector<128x128xf32>
        %min3A_164 = arith.minimumf %min3A_162, %min3A_163 : vector<128x128xf32>
        %max3A_165 = vector.broadcast %broadcast_in_dim3A_13 : vector<128x1xf32> to vector<128x128xf32>
        %max3A_166 = vector.broadcast %get3A_149 : vector<1x128xf32> to vector<128x128xf32>
        %max3A_167 = arith.maximumf %max3A_165, %max3A_166 : vector<128x128xf32>
        %sub3A_168 = arith.subf %min3A_164, %max3A_167 : vector<128x128xf32>
        %max3A_169 = arith.constant 0.000000e+00 : f32
        %max3A_170 = vector.broadcast %max3A_169 : f32 to vector<128x128xf32>
        %max3A_171 = arith.maximumf %max3A_170, %sub3A_168 : vector<128x128xf32>
        %min3A_172 = vector.broadcast %broadcast_in_dim3A_34 : vector<128x1xf32> to vector<128x128xf32>
        %min3A_173 = vector.broadcast %get3A_158 : vector<1x128xf32> to vector<128x128xf32>
        %min3A_174 = arith.minimumf %min3A_172, %min3A_173 : vector<128x128xf32>
        %max3A_175 = vector.broadcast %broadcast_in_dim3A_20 : vector<128x1xf32> to vector<128x128xf32>
        %max3A_176 = vector.broadcast %get3A_152 : vector<1x128xf32> to vector<128x128xf32>
        %max3A_177 = arith.maximumf %max3A_175, %max3A_176 : vector<128x128xf32>
        %sub3A_178 = arith.subf %min3A_174, %max3A_177 : vector<128x128xf32>
        %max3A_179 = arith.constant 0.000000e+00 : f32
        %max3A_180 = vector.broadcast %max3A_179 : f32 to vector<128x128xf32>
        %max3A_181 = arith.maximumf %max3A_180, %sub3A_178 : vector<128x128xf32>
        %mul3A_182 = arith.mulf %max3A_171, %max3A_181 : vector<128x128xf32>
        %add3A_183 = vector.broadcast %broadcast_in_dim3A_41 : vector<128x1xf32> to vector<128x128xf32>
        %add3A_184 = vector.broadcast %get3A_161 : vector<1x128xf32> to vector<128x128xf32>
        %add3A_185 = arith.addf %add3A_183, %add3A_184 : vector<128x128xf32>
        %sub3A_186 = arith.subf %add3A_185, %mul3A_182 : vector<128x128xf32>
        %div3A_187 = arith.divf %mul3A_182, %sub3A_186 : vector<128x128xf32>
        %gt3A_188 = arith.constant 5.000000e-01 : f32
        %gt3A_189 = vector.broadcast %gt3A_188 : f32 to vector<128x128xf32>
        %gt3A_190 = arith.cmpf ogt, %div3A_187, %gt3A_189 : vector<128x128xf32>
        %convert_element_type3A_191 = arith.extui %gt3A_190 : vector<128x128xi1> to vector<128x128xi32>
        %convert_element_type3A_192 = arith.sitofp %convert_element_type3A_191 : vector<128x128xi32> to vector<128x128xf32>
        %dot_general3A = arith.constant dense<0.000000e+00> : vector<1x128xf32>
        %dot_general3A_193 = tpu.matmul %while3A_94#0, %convert_element_type3A_192, %dot_general3A {dimension_numbers = #tpu.dot_dimension_numbers<[1], [0], [0], [1], [0, 0, 1, 1], [], []>, transpose_lhs_hint = false} : vector<1x128xf32>, vector<128x128xf32>, vector<1x128xf32> -> vector<1x128xf32>
        %get3A_194 = arith.index_cast %min3A_146 : i32 to index
        %get3A_195 = arith.constant 0 : index
        %get3A_196 = vector.load %arg12[%get3A_194, %get3A_195] : memref<40x128xf32, #tpu.memory_space<vmem>>, vector<1x128xf32>
        %gt3A_197 = arith.constant 5.000000e-01 : f32
        %gt3A_198 = vector.broadcast %gt3A_197 : f32 to vector<1x128xf32>
        %gt3A_199 = arith.cmpf ogt, %dot_general3A_193, %gt3A_198 : vector<1x128xf32>
        %convert_element_type3A_200 = arith.extui %gt3A_199 : vector<1x128xi1> to vector<1x128xi32>
        %convert_element_type3A_201 = arith.sitofp %convert_element_type3A_200 : vector<1x128xi32> to vector<1x128xf32>
        %max3A_202 = arith.maximumf %get3A_196, %convert_element_type3A_201 : vector<1x128xf32>
        %swap3A_203 = arith.index_cast %min3A_146 : i32 to index
        %swap3A_204 = arith.constant 0 : index
        %swap3A_205 = vector.load %arg12[%swap3A_203, %swap3A_204] : memref<40x128xf32, #tpu.memory_space<vmem>>, vector<1x128xf32>
        tpu.vector_store %arg12[%swap3A_203, %swap3A_204], %max3A_202 {strides = array<i32>} : memref<40x128xf32, #tpu.memory_space<vmem>>, vector<1x128xf32>,
        %add3A_206 = arith.constant 1 : i32
        %add3A_207 = arith.addi %add3A_142, %add3A_206 : i32
        %min3A_208 = arith.constant 39 : i32
        %min3A_209 = arith.minsi %add3A_207, %min3A_208 : i32
        %get3A_210 = arith.index_cast %min3A_209 : i32 to index
        %get3A_211 = arith.constant 0 : index
        %get3A_212 = vector.load %arg0[%get3A_210, %get3A_211] : memref<40x128xf32, #tpu.memory_space<vmem>>, vector<1x128xf32>
        %get3A_213 = arith.index_cast %min3A_209 : i32 to index
        %get3A_214 = arith.constant 0 : index
        %get3A_215 = vector.load %arg1[%get3A_213, %get3A_214] : memref<40x128xf32, #tpu.memory_space<vmem>>, vector<1x128xf32>
        %get3A_216 = arith.index_cast %min3A_209 : i32 to index
        %get3A_217 = arith.constant 0 : index
        %get3A_218 = vector.load %arg2[%get3A_216, %get3A_217] : memref<40x128xf32, #tpu.memory_space<vmem>>, vector<1x128xf32>
        %get3A_219 = arith.index_cast %min3A_209 : i32 to index
        %get3A_220 = arith.constant 0 : index
        %get3A_221 = vector.load %arg3[%get3A_219, %get3A_220] : memref<40x128xf32, #tpu.memory_space<vmem>>, vector<1x128xf32>
        %get3A_222 = arith.index_cast %min3A_209 : i32 to index
        %get3A_223 = arith.constant 0 : index
        %get3A_224 = vector.load %arg4[%get3A_222, %get3A_223] : memref<40x128xf32, #tpu.memory_space<vmem>>, vector<1x128xf32>
        %min3A_225 = vector.broadcast %broadcast_in_dim3A_27 : vector<128x1xf32> to vector<128x128xf32>
        %min3A_226 = vector.broadcast %get3A_218 : vector<1x128xf32> to vector<128x128xf32>
        %min3A_227 = arith.minimumf %min3A_225, %min3A_226 : vector<128x128xf32>
        %max3A_228 = vector.broadcast %broadcast_in_dim3A_13 : vector<128x1xf32> to vector<128x128xf32>
        %max3A_229 = vector.broadcast %get3A_212 : vector<1x128xf32> to vector<128x128xf32>
        %max3A_230 = arith.maximumf %max3A_228, %max3A_229 : vector<128x128xf32>
        %sub3A_231 = arith.subf %min3A_227, %max3A_230 : vector<128x128xf32>
        %max3A_232 = arith.constant 0.000000e+00 : f32
        %max3A_233 = vector.broadcast %max3A_232 : f32 to vector<128x128xf32>
        %max3A_234 = arith.maximumf %max3A_233, %sub3A_231 : vector<128x128xf32>
        %min3A_235 = vector.broadcast %broadcast_in_dim3A_34 : vector<128x1xf32> to vector<128x128xf32>
        %min3A_236 = vector.broadcast %get3A_221 : vector<1x128xf32> to vector<128x128xf32>
        %min3A_237 = arith.minimumf %min3A_235, %min3A_236 : vector<128x128xf32>
        %max3A_238 = vector.broadcast %broadcast_in_dim3A_20 : vector<128x1xf32> to vector<128x128xf32>
        %max3A_239 = vector.broadcast %get3A_215 : vector<1x128xf32> to vector<128x128xf32>
        %max3A_240 = arith.maximumf %max3A_238, %max3A_239 : vector<128x128xf32>
        %sub3A_241 = arith.subf %min3A_237, %max3A_240 : vector<128x128xf32>
        %max3A_242 = arith.constant 0.000000e+00 : f32
        %max3A_243 = vector.broadcast %max3A_242 : f32 to vector<128x128xf32>
        %max3A_244 = arith.maximumf %max3A_243, %sub3A_241 : vector<128x128xf32>
        %mul3A_245 = arith.mulf %max3A_234, %max3A_244 : vector<128x128xf32>
        %add3A_246 = vector.broadcast %broadcast_in_dim3A_41 : vector<128x1xf32> to vector<128x128xf32>
        %add3A_247 = vector.broadcast %get3A_224 : vector<1x128xf32> to vector<128x128xf32>
        %add3A_248 = arith.addf %add3A_246, %add3A_247 : vector<128x128xf32>
        %sub3A_249 = arith.subf %add3A_248, %mul3A_245 : vector<128x128xf32>
        %div3A_250 = arith.divf %mul3A_245, %sub3A_249 : vector<128x128xf32>
        %gt3A_251 = arith.constant 5.000000e-01 : f32
        %gt3A_252 = vector.broadcast %gt3A_251 : f32 to vector<128x128xf32>
        %gt3A_253 = arith.cmpf ogt, %div3A_250, %gt3A_252 : vector<128x128xf32>
        %convert_element_type3A_254 = arith.extui %gt3A_253 : vector<128x128xi1> to vector<128x128xi32>
        %convert_element_type3A_255 = arith.sitofp %convert_element_type3A_254 : vector<128x128xi32> to vector<128x128xf32>
        %dot_general3A_256 = arith.constant dense<0.000000e+00> : vector<1x128xf32>
        %dot_general3A_257 = tpu.matmul %while3A_94#0, %convert_element_type3A_255, %dot_general3A_256 {dimension_numbers = #tpu.dot_dimension_numbers<[1], [0], [0], [1], [0, 0, 1, 1], [], []>, transpose_lhs_hint = false} : vector<1x128xf32>, vector<128x128xf32>, vector<1x128xf32> -> vector<1x128xf32>
        %get3A_258 = arith.index_cast %min3A_209 : i32 to index
        %get3A_259 = arith.constant 0 : index
        %get3A_260 = vector.load %arg12[%get3A_258, %get3A_259] : memref<40x128xf32, #tpu.memory_space<vmem>>, vector<1x128xf32>
        %gt3A_261 = arith.constant 5.000000e-01 : f32
        %gt3A_262 = vector.broadcast %gt3A_261 : f32 to vector<1x128xf32>
        %gt3A_263 = arith.cmpf ogt, %dot_general3A_257, %gt3A_262 : vector<1x128xf32>
        %convert_element_type3A_264 = arith.extui %gt3A_263 : vector<1x128xi1> to vector<1x128xi32>
        %convert_element_type3A_265 = arith.sitofp %convert_element_type3A_264 : vector<1x128xi32> to vector<1x128xf32>
        %max3A_266 = arith.maximumf %get3A_260, %convert_element_type3A_265 : vector<1x128xf32>
        %swap3A_267 = arith.index_cast %min3A_209 : i32 to index
        %swap3A_268 = arith.constant 0 : index
        %swap3A_269 = vector.load %arg12[%swap3A_267, %swap3A_268] : memref<40x128xf32, #tpu.memory_space<vmem>>, vector<1x128xf32>
        tpu.vector_store %arg12[%swap3A_267, %swap3A_268], %max3A_266 {strides = array<i32>} : memref<40x128xf32, #tpu.memory_space<vmem>>, vector<1x128xf32>,
        %add3A_270 = arith.constant 2 : i32
        %add3A_271 = arith.addi %add3A_142, %add3A_270 : i32
        %min3A_272 = arith.constant 39 : i32
        %min3A_273 = arith.minsi %add3A_271, %min3A_272 : i32
        %get3A_274 = arith.index_cast %min3A_273 : i32 to index
        %get3A_275 = arith.constant 0 : index
        %get3A_276 = vector.load %arg0[%get3A_274, %get3A_275] : memref<40x128xf32, #tpu.memory_space<vmem>>, vector<1x128xf32>
        %get3A_277 = arith.index_cast %min3A_273 : i32 to index
        %get3A_278 = arith.constant 0 : index
        %get3A_279 = vector.load %arg1[%get3A_277, %get3A_278] : memref<40x128xf32, #tpu.memory_space<vmem>>, vector<1x128xf32>
        %get3A_280 = arith.index_cast %min3A_273 : i32 to index
        %get3A_281 = arith.constant 0 : index
        %get3A_282 = vector.load %arg2[%get3A_280, %get3A_281] : memref<40x128xf32, #tpu.memory_space<vmem>>, vector<1x128xf32>
        %get3A_283 = arith.index_cast %min3A_273 : i32 to index
        %get3A_284 = arith.constant 0 : index
        %get3A_285 = vector.load %arg3[%get3A_283, %get3A_284] : memref<40x128xf32, #tpu.memory_space<vmem>>, vector<1x128xf32>
        %get3A_286 = arith.index_cast %min3A_273 : i32 to index
        %get3A_287 = arith.constant 0 : index
        %get3A_288 = vector.load %arg4[%get3A_286, %get3A_287] : memref<40x128xf32, #tpu.memory_space<vmem>>, vector<1x128xf32>
        %min3A_289 = vector.broadcast %broadcast_in_dim3A_27 : vector<128x1xf32> to vector<128x128xf32>
        %min3A_290 = vector.broadcast %get3A_282 : vector<1x128xf32> to vector<128x128xf32>
        %min3A_291 = arith.minimumf %min3A_289, %min3A_290 : vector<128x128xf32>
        %max3A_292 = vector.broadcast %broadcast_in_dim3A_13 : vector<128x1xf32> to vector<128x128xf32>
        %max3A_293 = vector.broadcast %get3A_276 : vector<1x128xf32> to vector<128x128xf32>
        %max3A_294 = arith.maximumf %max3A_292, %max3A_293 : vector<128x128xf32>
        %sub3A_295 = arith.subf %min3A_291, %max3A_294 : vector<128x128xf32>
        %max3A_296 = arith.constant 0.000000e+00 : f32
        %max3A_297 = vector.broadcast %max3A_296 : f32 to vector<128x128xf32>
        %max3A_298 = arith.maximumf %max3A_297, %sub3A_295 : vector<128x128xf32>
        %min3A_299 = vector.broadcast %broadcast_in_dim3A_34 : vector<128x1xf32> to vector<128x128xf32>
        %min3A_300 = vector.broadcast %get3A_285 : vector<1x128xf32> to vector<128x128xf32>
        %min3A_301 = arith.minimumf %min3A_299, %min3A_300 : vector<128x128xf32>
        %max3A_302 = vector.broadcast %broadcast_in_dim3A_20 : vector<128x1xf32> to vector<128x128xf32>
        %max3A_303 = vector.broadcast %get3A_279 : vector<1x128xf32> to vector<128x128xf32>
        %max3A_304 = arith.maximumf %max3A_302, %max3A_303 : vector<128x128xf32>
        %sub3A_305 = arith.subf %min3A_301, %max3A_304 : vector<128x128xf32>
        %max3A_306 = arith.constant 0.000000e+00 : f32
        %max3A_307 = vector.broadcast %max3A_306 : f32 to vector<128x128xf32>
        %max3A_308 = arith.maximumf %max3A_307, %sub3A_305 : vector<128x128xf32>
        %mul3A_309 = arith.mulf %max3A_298, %max3A_308 : vector<128x128xf32>
        %add3A_310 = vector.broadcast %broadcast_in_dim3A_41 : vector<128x1xf32> to vector<128x128xf32>
        %add3A_311 = vector.broadcast %get3A_288 : vector<1x128xf32> to vector<128x128xf32>
        %add3A_312 = arith.addf %add3A_310, %add3A_311 : vector<128x128xf32>
        %sub3A_313 = arith.subf %add3A_312, %mul3A_309 : vector<128x128xf32>
        %div3A_314 = arith.divf %mul3A_309, %sub3A_313 : vector<128x128xf32>
        %gt3A_315 = arith.constant 5.000000e-01 : f32
        %gt3A_316 = vector.broadcast %gt3A_315 : f32 to vector<128x128xf32>
        %gt3A_317 = arith.cmpf ogt, %div3A_314, %gt3A_316 : vector<128x128xf32>
        %convert_element_type3A_318 = arith.extui %gt3A_317 : vector<128x128xi1> to vector<128x128xi32>
        %convert_element_type3A_319 = arith.sitofp %convert_element_type3A_318 : vector<128x128xi32> to vector<128x128xf32>
        %dot_general3A_320 = arith.constant dense<0.000000e+00> : vector<1x128xf32>
        %dot_general3A_321 = tpu.matmul %while3A_94#0, %convert_element_type3A_319, %dot_general3A_320 {dimension_numbers = #tpu.dot_dimension_numbers<[1], [0], [0], [1], [0, 0, 1, 1], [], []>, transpose_lhs_hint = false} : vector<1x128xf32>, vector<128x128xf32>, vector<1x128xf32> -> vector<1x128xf32>
        %get3A_322 = arith.index_cast %min3A_273 : i32 to index
        %get3A_323 = arith.constant 0 : index
        %get3A_324 = vector.load %arg12[%get3A_322, %get3A_323] : memref<40x128xf32, #tpu.memory_space<vmem>>, vector<1x128xf32>
        %gt3A_325 = arith.constant 5.000000e-01 : f32
        %gt3A_326 = vector.broadcast %gt3A_325 : f32 to vector<1x128xf32>
        %gt3A_327 = arith.cmpf ogt, %dot_general3A_321, %gt3A_326 : vector<1x128xf32>
        %convert_element_type3A_328 = arith.extui %gt3A_327 : vector<1x128xi1> to vector<1x128xi32>
        %convert_element_type3A_329 = arith.sitofp %convert_element_type3A_328 : vector<1x128xi32> to vector<1x128xf32>
        %max3A_330 = arith.maximumf %get3A_324, %convert_element_type3A_329 : vector<1x128xf32>
        %swap3A_331 = arith.index_cast %min3A_273 : i32 to index
        %swap3A_332 = arith.constant 0 : index
        %swap3A_333 = vector.load %arg12[%swap3A_331, %swap3A_332] : memref<40x128xf32, #tpu.memory_space<vmem>>, vector<1x128xf32>
        tpu.vector_store %arg12[%swap3A_331, %swap3A_332], %max3A_330 {strides = array<i32>} : memref<40x128xf32, #tpu.memory_space<vmem>>, vector<1x128xf32>,
        %add3A_334 = arith.constant 3 : i32
        %add3A_335 = arith.addi %add3A_142, %add3A_334 : i32
        %min3A_336 = arith.constant 39 : i32
        %min3A_337 = arith.minsi %add3A_335, %min3A_336 : i32
        %get3A_338 = arith.index_cast %min3A_337 : i32 to index
        %get3A_339 = arith.constant 0 : index
        %get3A_340 = vector.load %arg0[%get3A_338, %get3A_339] : memref<40x128xf32, #tpu.memory_space<vmem>>, vector<1x128xf32>
        %get3A_341 = arith.index_cast %min3A_337 : i32 to index
        %get3A_342 = arith.constant 0 : index
        %get3A_343 = vector.load %arg1[%get3A_341, %get3A_342] : memref<40x128xf32, #tpu.memory_space<vmem>>, vector<1x128xf32>
        %get3A_344 = arith.index_cast %min3A_337 : i32 to index
        %get3A_345 = arith.constant 0 : index
        %get3A_346 = vector.load %arg2[%get3A_344, %get3A_345] : memref<40x128xf32, #tpu.memory_space<vmem>>, vector<1x128xf32>
        %get3A_347 = arith.index_cast %min3A_337 : i32 to index
        %get3A_348 = arith.constant 0 : index
        %get3A_349 = vector.load %arg3[%get3A_347, %get3A_348] : memref<40x128xf32, #tpu.memory_space<vmem>>, vector<1x128xf32>
        %get3A_350 = arith.index_cast %min3A_337 : i32 to index
        %get3A_351 = arith.constant 0 : index
        %get3A_352 = vector.load %arg4[%get3A_350, %get3A_351] : memref<40x128xf32, #tpu.memory_space<vmem>>, vector<1x128xf32>
        %min3A_353 = vector.broadcast %broadcast_in_dim3A_27 : vector<128x1xf32> to vector<128x128xf32>
        %min3A_354 = vector.broadcast %get3A_346 : vector<1x128xf32> to vector<128x128xf32>
        %min3A_355 = arith.minimumf %min3A_353, %min3A_354 : vector<128x128xf32>
        %max3A_356 = vector.broadcast %broadcast_in_dim3A_13 : vector<128x1xf32> to vector<128x128xf32>
        %max3A_357 = vector.broadcast %get3A_340 : vector<1x128xf32> to vector<128x128xf32>
        %max3A_358 = arith.maximumf %max3A_356, %max3A_357 : vector<128x128xf32>
        %sub3A_359 = arith.subf %min3A_355, %max3A_358 : vector<128x128xf32>
        %max3A_360 = arith.constant 0.000000e+00 : f32
        %max3A_361 = vector.broadcast %max3A_360 : f32 to vector<128x128xf32>
        %max3A_362 = arith.maximumf %max3A_361, %sub3A_359 : vector<128x128xf32>
        %min3A_363 = vector.broadcast %broadcast_in_dim3A_34 : vector<128x1xf32> to vector<128x128xf32>
        %min3A_364 = vector.broadcast %get3A_349 : vector<1x128xf32> to vector<128x128xf32>
        %min3A_365 = arith.minimumf %min3A_363, %min3A_364 : vector<128x128xf32>
        %max3A_366 = vector.broadcast %broadcast_in_dim3A_20 : vector<128x1xf32> to vector<128x128xf32>
        %max3A_367 = vector.broadcast %get3A_343 : vector<1x128xf32> to vector<128x128xf32>
        %max3A_368 = arith.maximumf %max3A_366, %max3A_367 : vector<128x128xf32>
        %sub3A_369 = arith.subf %min3A_365, %max3A_368 : vector<128x128xf32>
        %max3A_370 = arith.constant 0.000000e+00 : f32
        %max3A_371 = vector.broadcast %max3A_370 : f32 to vector<128x128xf32>
        %max3A_372 = arith.maximumf %max3A_371, %sub3A_369 : vector<128x128xf32>
        %mul3A_373 = arith.mulf %max3A_362, %max3A_372 : vector<128x128xf32>
        %add3A_374 = vector.broadcast %broadcast_in_dim3A_41 : vector<128x1xf32> to vector<128x128xf32>
        %add3A_375 = vector.broadcast %get3A_352 : vector<1x128xf32> to vector<128x128xf32>
        %add3A_376 = arith.addf %add3A_374, %add3A_375 : vector<128x128xf32>
        %sub3A_377 = arith.subf %add3A_376, %mul3A_373 : vector<128x128xf32>
        %div3A_378 = arith.divf %mul3A_373, %sub3A_377 : vector<128x128xf32>
        %gt3A_379 = arith.constant 5.000000e-01 : f32
        %gt3A_380 = vector.broadcast %gt3A_379 : f32 to vector<128x128xf32>
        %gt3A_381 = arith.cmpf ogt, %div3A_378, %gt3A_380 : vector<128x128xf32>
        %convert_element_type3A_382 = arith.extui %gt3A_381 : vector<128x128xi1> to vector<128x128xi32>
        %convert_element_type3A_383 = arith.sitofp %convert_element_type3A_382 : vector<128x128xi32> to vector<128x128xf32>
        %dot_general3A_384 = arith.constant dense<0.000000e+00> : vector<1x128xf32>
        %dot_general3A_385 = tpu.matmul %while3A_94#0, %convert_element_type3A_383, %dot_general3A_384 {dimension_numbers = #tpu.dot_dimension_numbers<[1], [0], [0], [1], [0, 0, 1, 1], [], []>, transpose_lhs_hint = false} : vector<1x128xf32>, vector<128x128xf32>, vector<1x128xf32> -> vector<1x128xf32>
        %get3A_386 = arith.index_cast %min3A_337 : i32 to index
        %get3A_387 = arith.constant 0 : index
        %get3A_388 = vector.load %arg12[%get3A_386, %get3A_387] : memref<40x128xf32, #tpu.memory_space<vmem>>, vector<1x128xf32>
        %gt3A_389 = arith.constant 5.000000e-01 : f32
        %gt3A_390 = vector.broadcast %gt3A_389 : f32 to vector<1x128xf32>
        %gt3A_391 = arith.cmpf ogt, %dot_general3A_385, %gt3A_390 : vector<1x128xf32>
        %convert_element_type3A_392 = arith.extui %gt3A_391 : vector<1x128xi1> to vector<1x128xi32>
        %convert_element_type3A_393 = arith.sitofp %convert_element_type3A_392 : vector<1x128xi32> to vector<1x128xf32>
        %max3A_394 = arith.maximumf %get3A_388, %convert_element_type3A_393 : vector<1x128xf32>
        %swap3A_395 = arith.index_cast %min3A_337 : i32 to index
        %swap3A_396 = arith.constant 0 : index
        %swap3A_397 = vector.load %arg12[%swap3A_395, %swap3A_396] : memref<40x128xf32, #tpu.memory_space<vmem>>, vector<1x128xf32>
        tpu.vector_store %arg12[%swap3A_395, %swap3A_396], %max3A_394 {strides = array<i32>} : memref<40x128xf32, #tpu.memory_space<vmem>>, vector<1x128xf32>,
        %add3A_398 = arith.constant 4 : i32
        %add3A_399 = arith.addi %add3A_142, %add3A_398 : i32
        %min3A_400 = arith.constant 39 : i32
        %min3A_401 = arith.minsi %add3A_399, %min3A_400 : i32
        %get3A_402 = arith.index_cast %min3A_401 : i32 to index
        %get3A_403 = arith.constant 0 : index
        %get3A_404 = vector.load %arg0[%get3A_402, %get3A_403] : memref<40x128xf32, #tpu.memory_space<vmem>>, vector<1x128xf32>
        %get3A_405 = arith.index_cast %min3A_401 : i32 to index
        %get3A_406 = arith.constant 0 : index
        %get3A_407 = vector.load %arg1[%get3A_405, %get3A_406] : memref<40x128xf32, #tpu.memory_space<vmem>>, vector<1x128xf32>
        %get3A_408 = arith.index_cast %min3A_401 : i32 to index
        %get3A_409 = arith.constant 0 : index
        %get3A_410 = vector.load %arg2[%get3A_408, %get3A_409] : memref<40x128xf32, #tpu.memory_space<vmem>>, vector<1x128xf32>
        %get3A_411 = arith.index_cast %min3A_401 : i32 to index
        %get3A_412 = arith.constant 0 : index
        %get3A_413 = vector.load %arg3[%get3A_411, %get3A_412] : memref<40x128xf32, #tpu.memory_space<vmem>>, vector<1x128xf32>
        %get3A_414 = arith.index_cast %min3A_401 : i32 to index
        %get3A_415 = arith.constant 0 : index
        %get3A_416 = vector.load %arg4[%get3A_414, %get3A_415] : memref<40x128xf32, #tpu.memory_space<vmem>>, vector<1x128xf32>
        %min3A_417 = vector.broadcast %broadcast_in_dim3A_27 : vector<128x1xf32> to vector<128x128xf32>
        %min3A_418 = vector.broadcast %get3A_410 : vector<1x128xf32> to vector<128x128xf32>
        %min3A_419 = arith.minimumf %min3A_417, %min3A_418 : vector<128x128xf32>
        %max3A_420 = vector.broadcast %broadcast_in_dim3A_13 : vector<128x1xf32> to vector<128x128xf32>
        %max3A_421 = vector.broadcast %get3A_404 : vector<1x128xf32> to vector<128x128xf32>
        %max3A_422 = arith.maximumf %max3A_420, %max3A_421 : vector<128x128xf32>
        %sub3A_423 = arith.subf %min3A_419, %max3A_422 : vector<128x128xf32>
        %max3A_424 = arith.constant 0.000000e+00 : f32
        %max3A_425 = vector.broadcast %max3A_424 : f32 to vector<128x128xf32>
        %max3A_426 = arith.maximumf %max3A_425, %sub3A_423 : vector<128x128xf32>
        %min3A_427 = vector.broadcast %broadcast_in_dim3A_34 : vector<128x1xf32> to vector<128x128xf32>
        %min3A_428 = vector.broadcast %get3A_413 : vector<1x128xf32> to vector<128x128xf32>
        %min3A_429 = arith.minimumf %min3A_427, %min3A_428 : vector<128x128xf32>
        %max3A_430 = vector.broadcast %broadcast_in_dim3A_20 : vector<128x1xf32> to vector<128x128xf32>
        %max3A_431 = vector.broadcast %get3A_407 : vector<1x128xf32> to vector<128x128xf32>
        %max3A_432 = arith.maximumf %max3A_430, %max3A_431 : vector<128x128xf32>
        %sub3A_433 = arith.subf %min3A_429, %max3A_432 : vector<128x128xf32>
        %max3A_434 = arith.constant 0.000000e+00 : f32
        %max3A_435 = vector.broadcast %max3A_434 : f32 to vector<128x128xf32>
        %max3A_436 = arith.maximumf %max3A_435, %sub3A_433 : vector<128x128xf32>
        %mul3A_437 = arith.mulf %max3A_426, %max3A_436 : vector<128x128xf32>
        %add3A_438 = vector.broadcast %broadcast_in_dim3A_41 : vector<128x1xf32> to vector<128x128xf32>
        %add3A_439 = vector.broadcast %get3A_416 : vector<1x128xf32> to vector<128x128xf32>
        %add3A_440 = arith.addf %add3A_438, %add3A_439 : vector<128x128xf32>
        %sub3A_441 = arith.subf %add3A_440, %mul3A_437 : vector<128x128xf32>
        %div3A_442 = arith.divf %mul3A_437, %sub3A_441 : vector<128x128xf32>
        %gt3A_443 = arith.constant 5.000000e-01 : f32
        %gt3A_444 = vector.broadcast %gt3A_443 : f32 to vector<128x128xf32>
        %gt3A_445 = arith.cmpf ogt, %div3A_442, %gt3A_444 : vector<128x128xf32>
        %convert_element_type3A_446 = arith.extui %gt3A_445 : vector<128x128xi1> to vector<128x128xi32>
        %convert_element_type3A_447 = arith.sitofp %convert_element_type3A_446 : vector<128x128xi32> to vector<128x128xf32>
        %dot_general3A_448 = arith.constant dense<0.000000e+00> : vector<1x128xf32>
        %dot_general3A_449 = tpu.matmul %while3A_94#0, %convert_element_type3A_447, %dot_general3A_448 {dimension_numbers = #tpu.dot_dimension_numbers<[1], [0], [0], [1], [0, 0, 1, 1], [], []>, transpose_lhs_hint = false} : vector<1x128xf32>, vector<128x128xf32>, vector<1x128xf32> -> vector<1x128xf32>
        %get3A_450 = arith.index_cast %min3A_401 : i32 to index
        %get3A_451 = arith.constant 0 : index
        %get3A_452 = vector.load %arg12[%get3A_450, %get3A_451] : memref<40x128xf32, #tpu.memory_space<vmem>>, vector<1x128xf32>
        %gt3A_453 = arith.constant 5.000000e-01 : f32
        %gt3A_454 = vector.broadcast %gt3A_453 : f32 to vector<1x128xf32>
        %gt3A_455 = arith.cmpf ogt, %dot_general3A_449, %gt3A_454 : vector<1x128xf32>
        %convert_element_type3A_456 = arith.extui %gt3A_455 : vector<1x128xi1> to vector<1x128xi32>
        %convert_element_type3A_457 = arith.sitofp %convert_element_type3A_456 : vector<1x128xi32> to vector<1x128xf32>
        %max3A_458 = arith.maximumf %get3A_452, %convert_element_type3A_457 : vector<1x128xf32>
        %swap3A_459 = arith.index_cast %min3A_401 : i32 to index
        %swap3A_460 = arith.constant 0 : index
        %swap3A_461 = vector.load %arg12[%swap3A_459, %swap3A_460] : memref<40x128xf32, #tpu.memory_space<vmem>>, vector<1x128xf32>
        tpu.vector_store %arg12[%swap3A_459, %swap3A_460], %max3A_458 {strides = array<i32>} : memref<40x128xf32, #tpu.memory_space<vmem>>, vector<1x128xf32>,
        %add3A_462 = arith.constant 5 : i32
        %add3A_463 = arith.addi %add3A_142, %add3A_462 : i32
        %min3A_464 = arith.constant 39 : i32
        %min3A_465 = arith.minsi %add3A_463, %min3A_464 : i32
        %get3A_466 = arith.index_cast %min3A_465 : i32 to index
        %get3A_467 = arith.constant 0 : index
        %get3A_468 = vector.load %arg0[%get3A_466, %get3A_467] : memref<40x128xf32, #tpu.memory_space<vmem>>, vector<1x128xf32>
        %get3A_469 = arith.index_cast %min3A_465 : i32 to index
        %get3A_470 = arith.constant 0 : index
        %get3A_471 = vector.load %arg1[%get3A_469, %get3A_470] : memref<40x128xf32, #tpu.memory_space<vmem>>, vector<1x128xf32>
        %get3A_472 = arith.index_cast %min3A_465 : i32 to index
        %get3A_473 = arith.constant 0 : index
        %get3A_474 = vector.load %arg2[%get3A_472, %get3A_473] : memref<40x128xf32, #tpu.memory_space<vmem>>, vector<1x128xf32>
        %get3A_475 = arith.index_cast %min3A_465 : i32 to index
        %get3A_476 = arith.constant 0 : index
        %get3A_477 = vector.load %arg3[%get3A_475, %get3A_476] : memref<40x128xf32, #tpu.memory_space<vmem>>, vector<1x128xf32>
        %get3A_478 = arith.index_cast %min3A_465 : i32 to index
        %get3A_479 = arith.constant 0 : index
        %get3A_480 = vector.load %arg4[%get3A_478, %get3A_479] : memref<40x128xf32, #tpu.memory_space<vmem>>, vector<1x128xf32>
        %min3A_481 = vector.broadcast %broadcast_in_dim3A_27 : vector<128x1xf32> to vector<128x128xf32>
        %min3A_482 = vector.broadcast %get3A_474 : vector<1x128xf32> to vector<128x128xf32>
        %min3A_483 = arith.minimumf %min3A_481, %min3A_482 : vector<128x128xf32>
        %max3A_484 = vector.broadcast %broadcast_in_dim3A_13 : vector<128x1xf32> to vector<128x128xf32>
        %max3A_485 = vector.broadcast %get3A_468 : vector<1x128xf32> to vector<128x128xf32>
        %max3A_486 = arith.maximumf %max3A_484, %max3A_485 : vector<128x128xf32>
        %sub3A_487 = arith.subf %min3A_483, %max3A_486 : vector<128x128xf32>
        %max3A_488 = arith.constant 0.000000e+00 : f32
        %max3A_489 = vector.broadcast %max3A_488 : f32 to vector<128x128xf32>
        %max3A_490 = arith.maximumf %max3A_489, %sub3A_487 : vector<128x128xf32>
        %min3A_491 = vector.broadcast %broadcast_in_dim3A_34 : vector<128x1xf32> to vector<128x128xf32>
        %min3A_492 = vector.broadcast %get3A_477 : vector<1x128xf32> to vector<128x128xf32>
        %min3A_493 = arith.minimumf %min3A_491, %min3A_492 : vector<128x128xf32>
        %max3A_494 = vector.broadcast %broadcast_in_dim3A_20 : vector<128x1xf32> to vector<128x128xf32>
        %max3A_495 = vector.broadcast %get3A_471 : vector<1x128xf32> to vector<128x128xf32>
        %max3A_496 = arith.maximumf %max3A_494, %max3A_495 : vector<128x128xf32>
        %sub3A_497 = arith.subf %min3A_493, %max3A_496 : vector<128x128xf32>
        %max3A_498 = arith.constant 0.000000e+00 : f32
        %max3A_499 = vector.broadcast %max3A_498 : f32 to vector<128x128xf32>
        %max3A_500 = arith.maximumf %max3A_499, %sub3A_497 : vector<128x128xf32>
        %mul3A_501 = arith.mulf %max3A_490, %max3A_500 : vector<128x128xf32>
        %add3A_502 = vector.broadcast %broadcast_in_dim3A_41 : vector<128x1xf32> to vector<128x128xf32>
        %add3A_503 = vector.broadcast %get3A_480 : vector<1x128xf32> to vector<128x128xf32>
        %add3A_504 = arith.addf %add3A_502, %add3A_503 : vector<128x128xf32>
        %sub3A_505 = arith.subf %add3A_504, %mul3A_501 : vector<128x128xf32>
        %div3A_506 = arith.divf %mul3A_501, %sub3A_505 : vector<128x128xf32>
        %gt3A_507 = arith.constant 5.000000e-01 : f32
        %gt3A_508 = vector.broadcast %gt3A_507 : f32 to vector<128x128xf32>
        %gt3A_509 = arith.cmpf ogt, %div3A_506, %gt3A_508 : vector<128x128xf32>
        %convert_element_type3A_510 = arith.extui %gt3A_509 : vector<128x128xi1> to vector<128x128xi32>
        %convert_element_type3A_511 = arith.sitofp %convert_element_type3A_510 : vector<128x128xi32> to vector<128x128xf32>
        %dot_general3A_512 = arith.constant dense<0.000000e+00> : vector<1x128xf32>
        %dot_general3A_513 = tpu.matmul %while3A_94#0, %convert_element_type3A_511, %dot_general3A_512 {dimension_numbers = #tpu.dot_dimension_numbers<[1], [0], [0], [1], [0, 0, 1, 1], [], []>, transpose_lhs_hint = false} : vector<1x128xf32>, vector<128x128xf32>, vector<1x128xf32> -> vector<1x128xf32>
        %get3A_514 = arith.index_cast %min3A_465 : i32 to index
        %get3A_515 = arith.constant 0 : index
        %get3A_516 = vector.load %arg12[%get3A_514, %get3A_515] : memref<40x128xf32, #tpu.memory_space<vmem>>, vector<1x128xf32>
        %gt3A_517 = arith.constant 5.000000e-01 : f32
        %gt3A_518 = vector.broadcast %gt3A_517 : f32 to vector<1x128xf32>
        %gt3A_519 = arith.cmpf ogt, %dot_general3A_513, %gt3A_518 : vector<1x128xf32>
        %convert_element_type3A_520 = arith.extui %gt3A_519 : vector<1x128xi1> to vector<1x128xi32>
        %convert_element_type3A_521 = arith.sitofp %convert_element_type3A_520 : vector<1x128xi32> to vector<1x128xf32>
        %max3A_522 = arith.maximumf %get3A_516, %convert_element_type3A_521 : vector<1x128xf32>
        %swap3A_523 = arith.index_cast %min3A_465 : i32 to index
        %swap3A_524 = arith.constant 0 : index
        %swap3A_525 = vector.load %arg12[%swap3A_523, %swap3A_524] : memref<40x128xf32, #tpu.memory_space<vmem>>, vector<1x128xf32>
        tpu.vector_store %arg12[%swap3A_523, %swap3A_524], %max3A_522 {strides = array<i32>} : memref<40x128xf32, #tpu.memory_space<vmem>>, vector<1x128xf32>,
        %add3A_526 = arith.constant 6 : i32
        %add3A_527 = arith.addi %add3A_142, %add3A_526 : i32
        %min3A_528 = arith.constant 39 : i32
        %min3A_529 = arith.minsi %add3A_527, %min3A_528 : i32
        %get3A_530 = arith.index_cast %min3A_529 : i32 to index
        %get3A_531 = arith.constant 0 : index
        %get3A_532 = vector.load %arg0[%get3A_530, %get3A_531] : memref<40x128xf32, #tpu.memory_space<vmem>>, vector<1x128xf32>
        %get3A_533 = arith.index_cast %min3A_529 : i32 to index
        %get3A_534 = arith.constant 0 : index
        %get3A_535 = vector.load %arg1[%get3A_533, %get3A_534] : memref<40x128xf32, #tpu.memory_space<vmem>>, vector<1x128xf32>
        %get3A_536 = arith.index_cast %min3A_529 : i32 to index
        %get3A_537 = arith.constant 0 : index
        %get3A_538 = vector.load %arg2[%get3A_536, %get3A_537] : memref<40x128xf32, #tpu.memory_space<vmem>>, vector<1x128xf32>
        %get3A_539 = arith.index_cast %min3A_529 : i32 to index
        %get3A_540 = arith.constant 0 : index
        %get3A_541 = vector.load %arg3[%get3A_539, %get3A_540] : memref<40x128xf32, #tpu.memory_space<vmem>>, vector<1x128xf32>
        %get3A_542 = arith.index_cast %min3A_529 : i32 to index
        %get3A_543 = arith.constant 0 : index
        %get3A_544 = vector.load %arg4[%get3A_542, %get3A_543] : memref<40x128xf32, #tpu.memory_space<vmem>>, vector<1x128xf32>
        %min3A_545 = vector.broadcast %broadcast_in_dim3A_27 : vector<128x1xf32> to vector<128x128xf32>
        %min3A_546 = vector.broadcast %get3A_538 : vector<1x128xf32> to vector<128x128xf32>
        %min3A_547 = arith.minimumf %min3A_545, %min3A_546 : vector<128x128xf32>
        %max3A_548 = vector.broadcast %broadcast_in_dim3A_13 : vector<128x1xf32> to vector<128x128xf32>
        %max3A_549 = vector.broadcast %get3A_532 : vector<1x128xf32> to vector<128x128xf32>
        %max3A_550 = arith.maximumf %max3A_548, %max3A_549 : vector<128x128xf32>
        %sub3A_551 = arith.subf %min3A_547, %max3A_550 : vector<128x128xf32>
        %max3A_552 = arith.constant 0.000000e+00 : f32
        %max3A_553 = vector.broadcast %max3A_552 : f32 to vector<128x128xf32>
        %max3A_554 = arith.maximumf %max3A_553, %sub3A_551 : vector<128x128xf32>
        %min3A_555 = vector.broadcast %broadcast_in_dim3A_34 : vector<128x1xf32> to vector<128x128xf32>
        %min3A_556 = vector.broadcast %get3A_541 : vector<1x128xf32> to vector<128x128xf32>
        %min3A_557 = arith.minimumf %min3A_555, %min3A_556 : vector<128x128xf32>
        %max3A_558 = vector.broadcast %broadcast_in_dim3A_20 : vector<128x1xf32> to vector<128x128xf32>
        %max3A_559 = vector.broadcast %get3A_535 : vector<1x128xf32> to vector<128x128xf32>
        %max3A_560 = arith.maximumf %max3A_558, %max3A_559 : vector<128x128xf32>
        %sub3A_561 = arith.subf %min3A_557, %max3A_560 : vector<128x128xf32>
        %max3A_562 = arith.constant 0.000000e+00 : f32
        %max3A_563 = vector.broadcast %max3A_562 : f32 to vector<128x128xf32>
        %max3A_564 = arith.maximumf %max3A_563, %sub3A_561 : vector<128x128xf32>
        %mul3A_565 = arith.mulf %max3A_554, %max3A_564 : vector<128x128xf32>
        %add3A_566 = vector.broadcast %broadcast_in_dim3A_41 : vector<128x1xf32> to vector<128x128xf32>
        %add3A_567 = vector.broadcast %get3A_544 : vector<1x128xf32> to vector<128x128xf32>
        %add3A_568 = arith.addf %add3A_566, %add3A_567 : vector<128x128xf32>
        %sub3A_569 = arith.subf %add3A_568, %mul3A_565 : vector<128x128xf32>
        %div3A_570 = arith.divf %mul3A_565, %sub3A_569 : vector<128x128xf32>
        %gt3A_571 = arith.constant 5.000000e-01 : f32
        %gt3A_572 = vector.broadcast %gt3A_571 : f32 to vector<128x128xf32>
        %gt3A_573 = arith.cmpf ogt, %div3A_570, %gt3A_572 : vector<128x128xf32>
        %convert_element_type3A_574 = arith.extui %gt3A_573 : vector<128x128xi1> to vector<128x128xi32>
        %convert_element_type3A_575 = arith.sitofp %convert_element_type3A_574 : vector<128x128xi32> to vector<128x128xf32>
        %dot_general3A_576 = arith.constant dense<0.000000e+00> : vector<1x128xf32>
        %dot_general3A_577 = tpu.matmul %while3A_94#0, %convert_element_type3A_575, %dot_general3A_576 {dimension_numbers = #tpu.dot_dimension_numbers<[1], [0], [0], [1], [0, 0, 1, 1], [], []>, transpose_lhs_hint = false} : vector<1x128xf32>, vector<128x128xf32>, vector<1x128xf32> -> vector<1x128xf32>
        %get3A_578 = arith.index_cast %min3A_529 : i32 to index
        %get3A_579 = arith.constant 0 : index
        %get3A_580 = vector.load %arg12[%get3A_578, %get3A_579] : memref<40x128xf32, #tpu.memory_space<vmem>>, vector<1x128xf32>
        %gt3A_581 = arith.constant 5.000000e-01 : f32
        %gt3A_582 = vector.broadcast %gt3A_581 : f32 to vector<1x128xf32>
        %gt3A_583 = arith.cmpf ogt, %dot_general3A_577, %gt3A_582 : vector<1x128xf32>
        %convert_element_type3A_584 = arith.extui %gt3A_583 : vector<1x128xi1> to vector<1x128xi32>
        %convert_element_type3A_585 = arith.sitofp %convert_element_type3A_584 : vector<1x128xi32> to vector<1x128xf32>
        %max3A_586 = arith.maximumf %get3A_580, %convert_element_type3A_585 : vector<1x128xf32>
        %swap3A_587 = arith.index_cast %min3A_529 : i32 to index
        %swap3A_588 = arith.constant 0 : index
        %swap3A_589 = vector.load %arg12[%swap3A_587, %swap3A_588] : memref<40x128xf32, #tpu.memory_space<vmem>>, vector<1x128xf32>
        tpu.vector_store %arg12[%swap3A_587, %swap3A_588], %max3A_586 {strides = array<i32>} : memref<40x128xf32, #tpu.memory_space<vmem>>, vector<1x128xf32>,
        %add3A_590 = arith.constant 7 : i32
        %add3A_591 = arith.addi %add3A_142, %add3A_590 : i32
        %min3A_592 = arith.constant 39 : i32
        %min3A_593 = arith.minsi %add3A_591, %min3A_592 : i32
        %get3A_594 = arith.index_cast %min3A_593 : i32 to index
        %get3A_595 = arith.constant 0 : index
        %get3A_596 = vector.load %arg0[%get3A_594, %get3A_595] : memref<40x128xf32, #tpu.memory_space<vmem>>, vector<1x128xf32>
        %get3A_597 = arith.index_cast %min3A_593 : i32 to index
        %get3A_598 = arith.constant 0 : index
        %get3A_599 = vector.load %arg1[%get3A_597, %get3A_598] : memref<40x128xf32, #tpu.memory_space<vmem>>, vector<1x128xf32>
        %get3A_600 = arith.index_cast %min3A_593 : i32 to index
        %get3A_601 = arith.constant 0 : index
        %get3A_602 = vector.load %arg2[%get3A_600, %get3A_601] : memref<40x128xf32, #tpu.memory_space<vmem>>, vector<1x128xf32>
        %get3A_603 = arith.index_cast %min3A_593 : i32 to index
        %get3A_604 = arith.constant 0 : index
        %get3A_605 = vector.load %arg3[%get3A_603, %get3A_604] : memref<40x128xf32, #tpu.memory_space<vmem>>, vector<1x128xf32>
        %get3A_606 = arith.index_cast %min3A_593 : i32 to index
        %get3A_607 = arith.constant 0 : index
        %get3A_608 = vector.load %arg4[%get3A_606, %get3A_607] : memref<40x128xf32, #tpu.memory_space<vmem>>, vector<1x128xf32>
        %min3A_609 = vector.broadcast %broadcast_in_dim3A_27 : vector<128x1xf32> to vector<128x128xf32>
        %min3A_610 = vector.broadcast %get3A_602 : vector<1x128xf32> to vector<128x128xf32>
        %min3A_611 = arith.minimumf %min3A_609, %min3A_610 : vector<128x128xf32>
        %max3A_612 = vector.broadcast %broadcast_in_dim3A_13 : vector<128x1xf32> to vector<128x128xf32>
        %max3A_613 = vector.broadcast %get3A_596 : vector<1x128xf32> to vector<128x128xf32>
        %max3A_614 = arith.maximumf %max3A_612, %max3A_613 : vector<128x128xf32>
        %sub3A_615 = arith.subf %min3A_611, %max3A_614 : vector<128x128xf32>
        %max3A_616 = arith.constant 0.000000e+00 : f32
        %max3A_617 = vector.broadcast %max3A_616 : f32 to vector<128x128xf32>
        %max3A_618 = arith.maximumf %max3A_617, %sub3A_615 : vector<128x128xf32>
        %min3A_619 = vector.broadcast %broadcast_in_dim3A_34 : vector<128x1xf32> to vector<128x128xf32>
        %min3A_620 = vector.broadcast %get3A_605 : vector<1x128xf32> to vector<128x128xf32>
        %min3A_621 = arith.minimumf %min3A_619, %min3A_620 : vector<128x128xf32>
        %max3A_622 = vector.broadcast %broadcast_in_dim3A_20 : vector<128x1xf32> to vector<128x128xf32>
        %max3A_623 = vector.broadcast %get3A_599 : vector<1x128xf32> to vector<128x128xf32>
        %max3A_624 = arith.maximumf %max3A_622, %max3A_623 : vector<128x128xf32>
        %sub3A_625 = arith.subf %min3A_621, %max3A_624 : vector<128x128xf32>
        %max3A_626 = arith.constant 0.000000e+00 : f32
        %max3A_627 = vector.broadcast %max3A_626 : f32 to vector<128x128xf32>
        %max3A_628 = arith.maximumf %max3A_627, %sub3A_625 : vector<128x128xf32>
        %mul3A_629 = arith.mulf %max3A_618, %max3A_628 : vector<128x128xf32>
        %add3A_630 = vector.broadcast %broadcast_in_dim3A_41 : vector<128x1xf32> to vector<128x128xf32>
        %add3A_631 = vector.broadcast %get3A_608 : vector<1x128xf32> to vector<128x128xf32>
        %add3A_632 = arith.addf %add3A_630, %add3A_631 : vector<128x128xf32>
        %sub3A_633 = arith.subf %add3A_632, %mul3A_629 : vector<128x128xf32>
        %div3A_634 = arith.divf %mul3A_629, %sub3A_633 : vector<128x128xf32>
        %gt3A_635 = arith.constant 5.000000e-01 : f32
        %gt3A_636 = vector.broadcast %gt3A_635 : f32 to vector<128x128xf32>
        %gt3A_637 = arith.cmpf ogt, %div3A_634, %gt3A_636 : vector<128x128xf32>
        %convert_element_type3A_638 = arith.extui %gt3A_637 : vector<128x128xi1> to vector<128x128xi32>
        %convert_element_type3A_639 = arith.sitofp %convert_element_type3A_638 : vector<128x128xi32> to vector<128x128xf32>
        %dot_general3A_640 = arith.constant dense<0.000000e+00> : vector<1x128xf32>
        %dot_general3A_641 = tpu.matmul %while3A_94#0, %convert_element_type3A_639, %dot_general3A_640 {dimension_numbers = #tpu.dot_dimension_numbers<[1], [0], [0], [1], [0, 0, 1, 1], [], []>, transpose_lhs_hint = false} : vector<1x128xf32>, vector<128x128xf32>, vector<1x128xf32> -> vector<1x128xf32>
        %get3A_642 = arith.index_cast %min3A_593 : i32 to index
        %get3A_643 = arith.constant 0 : index
        %get3A_644 = vector.load %arg12[%get3A_642, %get3A_643] : memref<40x128xf32, #tpu.memory_space<vmem>>, vector<1x128xf32>
        %gt3A_645 = arith.constant 5.000000e-01 : f32
        %gt3A_646 = vector.broadcast %gt3A_645 : f32 to vector<1x128xf32>
        %gt3A_647 = arith.cmpf ogt, %dot_general3A_641, %gt3A_646 : vector<1x128xf32>
        %convert_element_type3A_648 = arith.extui %gt3A_647 : vector<1x128xi1> to vector<1x128xi32>
        %convert_element_type3A_649 = arith.sitofp %convert_element_type3A_648 : vector<1x128xi32> to vector<1x128xf32>
        %max3A_650 = arith.maximumf %get3A_644, %convert_element_type3A_649 : vector<1x128xf32>
        %swap3A_651 = arith.index_cast %min3A_593 : i32 to index
        %swap3A_652 = arith.constant 0 : index
        %swap3A_653 = vector.load %arg12[%swap3A_651, %swap3A_652] : memref<40x128xf32, #tpu.memory_space<vmem>>, vector<1x128xf32>
        tpu.vector_store %arg12[%swap3A_651, %swap3A_652], %max3A_650 {strides = array<i32>} : memref<40x128xf32, #tpu.memory_space<vmem>>, vector<1x128xf32>,
        %while3A_654 = arith.constant 0 : i32
        scf.yield %while3A_654 : i32
      }
      %while3A_134 = arith.constant 1 : i32
      %while3A_135 = scf.for %while3A_136 = %while3A_131 to %while3A_127 step %while3A_134 iter_args(%while3A_137 = %while3A_133) -> (i32)  : i32 {
        %add3A_138 = arith.constant 1 : i32
        %add3A_139 = arith.addi %scan3A_7, %add3A_138 : i32
        %mul3A_140 = arith.constant 8 : i32
        %mul3A_141 = arith.muli %mul3A_140, %while3A_136 : i32
        %add3A_142 = arith.addi %add3A_139, %mul3A_141 : i32
        %add3A_143 = arith.constant 0 : i32
        %add3A_144 = arith.addi %add3A_142, %add3A_143 : i32
        %min3A_145 = arith.constant 39 : i32
        %min3A_146 = arith.minsi %add3A_144, %min3A_145 : i32
        %get3A_147 = arith.index_cast %min3A_146 : i32 to index
        %get3A_148 = arith.constant 0 : index
        %get3A_149 = vector.load %arg0[%get3A_147, %get3A_148] : memref<40x128xf32, #tpu.memory_space<vmem>>, vector<1x128xf32>
        %get3A_150 = arith.index_cast %min3A_146 : i32 to index
        %get3A_151 = arith.constant 0 : index
        %get3A_152 = vector.load %arg1[%get3A_150, %get3A_151] : memref<40x128xf32, #tpu.memory_space<vmem>>, vector<1x128xf32>
        %get3A_153 = arith.index_cast %min3A_146 : i32 to index
        %get3A_154 = arith.constant 0 : index
        %get3A_155 = vector.load %arg2[%get3A_153, %get3A_154] : memref<40x128xf32, #tpu.memory_space<vmem>>, vector<1x128xf32>
        %get3A_156 = arith.index_cast %min3A_146 : i32 to index
        %get3A_157 = arith.constant 0 : index
        %get3A_158 = vector.load %arg3[%get3A_156, %get3A_157] : memref<40x128xf32, #tpu.memory_space<vmem>>, vector<1x128xf32>
        %get3A_159 = arith.index_cast %min3A_146 : i32 to index
        %get3A_160 = arith.constant 0 : index
        %get3A_161 = vector.load %arg4[%get3A_159, %get3A_160] : memref<40x128xf32, #tpu.memory_space<vmem>>, vector<1x128xf32>
        %min3A_162 = vector.broadcast %broadcast_in_dim3A_27 : vector<128x1xf32> to vector<128x128xf32>
        %min3A_163 = vector.broadcast %get3A_155 : vector<1x128xf32> to vector<128x128xf32>
        %min3A_164 = arith.minimumf %min3A_162, %min3A_163 : vector<128x128xf32>
        %max3A_165 = vector.broadcast %broadcast_in_dim3A_13 : vector<128x1xf32> to vector<128x128xf32>
        %max3A_166 = vector.broadcast %get3A_149 : vector<1x128xf32> to vector<128x128xf32>
        %max3A_167 = arith.maximumf %max3A_165, %max3A_166 : vector<128x128xf32>
        %sub3A_168 = arith.subf %min3A_164, %max3A_167 : vector<128x128xf32>
        %max3A_169 = arith.constant 0.000000e+00 : f32
        %max3A_170 = vector.broadcast %max3A_169 : f32 to vector<128x128xf32>
        %max3A_171 = arith.maximumf %max3A_170, %sub3A_168 : vector<128x128xf32>
        %min3A_172 = vector.broadcast %broadcast_in_dim3A_34 : vector<128x1xf32> to vector<128x128xf32>
        %min3A_173 = vector.broadcast %get3A_158 : vector<1x128xf32> to vector<128x128xf32>
        %min3A_174 = arith.minimumf %min3A_172, %min3A_173 : vector<128x128xf32>
        %max3A_175 = vector.broadcast %broadcast_in_dim3A_20 : vector<128x1xf32> to vector<128x128xf32>
        %max3A_176 = vector.broadcast %get3A_152 : vector<1x128xf32> to vector<128x128xf32>
        %max3A_177 = arith.maximumf %max3A_175, %max3A_176 : vector<128x128xf32>
        %sub3A_178 = arith.subf %min3A_174, %max3A_177 : vector<128x128xf32>
        %max3A_179 = arith.constant 0.000000e+00 : f32
        %max3A_180 = vector.broadcast %max3A_179 : f32 to vector<128x128xf32>
        %max3A_181 = arith.maximumf %max3A_180, %sub3A_178 : vector<128x128xf32>
        %mul3A_182 = arith.mulf %max3A_171, %max3A_181 : vector<128x128xf32>
        %add3A_183 = vector.broadcast %broadcast_in_dim3A_41 : vector<128x1xf32> to vector<128x128xf32>
        %add3A_184 = vector.broadcast %get3A_161 : vector<1x128xf32> to vector<128x128xf32>
        %add3A_185 = arith.addf %add3A_183, %add3A_184 : vector<128x128xf32>
        %sub3A_186 = arith.subf %add3A_185, %mul3A_182 : vector<128x128xf32>
        %div3A_187 = arith.divf %mul3A_182, %sub3A_186 : vector<128x128xf32>
        %gt3A_188 = arith.constant 5.000000e-01 : f32
        %gt3A_189 = vector.broadcast %gt3A_188 : f32 to vector<128x128xf32>
        %gt3A_190 = arith.cmpf ogt, %div3A_187, %gt3A_189 : vector<128x128xf32>
        %convert_element_type3A_191 = arith.extui %gt3A_190 : vector<128x128xi1> to vector<128x128xi32>
        %convert_element_type3A_192 = arith.sitofp %convert_element_type3A_191 : vector<128x128xi32> to vector<128x128xf32>
        %dot_general3A = arith.constant dense<0.000000e+00> : vector<1x128xf32>
        %dot_general3A_193 = tpu.matmul %while3A_94#0, %convert_element_type3A_192, %dot_general3A {dimension_numbers = #tpu.dot_dimension_numbers<[1], [0], [0], [1], [0, 0, 1, 1], [], []>, transpose_lhs_hint = false} : vector<1x128xf32>, vector<128x128xf32>, vector<1x128xf32> -> vector<1x128xf32>
        %get3A_194 = arith.index_cast %min3A_146 : i32 to index
        %get3A_195 = arith.constant 0 : index
        %get3A_196 = vector.load %arg12[%get3A_194, %get3A_195] : memref<40x128xf32, #tpu.memory_space<vmem>>, vector<1x128xf32>
        %gt3A_197 = arith.constant 5.000000e-01 : f32
        %gt3A_198 = vector.broadcast %gt3A_197 : f32 to vector<1x128xf32>
        %gt3A_199 = arith.cmpf ogt, %dot_general3A_193, %gt3A_198 : vector<1x128xf32>
        %convert_element_type3A_200 = arith.extui %gt3A_199 : vector<1x128xi1> to vector<1x128xi32>
        %convert_element_type3A_201 = arith.sitofp %convert_element_type3A_200 : vector<1x128xi32> to vector<1x128xf32>
        %max3A_202 = arith.maximumf %get3A_196, %convert_element_type3A_201 : vector<1x128xf32>
        %swap3A_203 = arith.index_cast %min3A_146 : i32 to index
        %swap3A_204 = arith.constant 0 : index
        %swap3A_205 = vector.load %arg12[%swap3A_203, %swap3A_204] : memref<40x128xf32, #tpu.memory_space<vmem>>, vector<1x128xf32>
        tpu.vector_store %arg12[%swap3A_203, %swap3A_204], %max3A_202 {strides = array<i32>} : memref<40x128xf32, #tpu.memory_space<vmem>>, vector<1x128xf32>,
        %add3A_206 = arith.constant 1 : i32
        %add3A_207 = arith.addi %add3A_142, %add3A_206 : i32
        %min3A_208 = arith.constant 39 : i32
        %min3A_209 = arith.minsi %add3A_207, %min3A_208 : i32
        %get3A_210 = arith.index_cast %min3A_209 : i32 to index
        %get3A_211 = arith.constant 0 : index
        %get3A_212 = vector.load %arg0[%get3A_210, %get3A_211] : memref<40x128xf32, #tpu.memory_space<vmem>>, vector<1x128xf32>
        %get3A_213 = arith.index_cast %min3A_209 : i32 to index
        %get3A_214 = arith.constant 0 : index
        %get3A_215 = vector.load %arg1[%get3A_213, %get3A_214] : memref<40x128xf32, #tpu.memory_space<vmem>>, vector<1x128xf32>
        %get3A_216 = arith.index_cast %min3A_209 : i32 to index
        %get3A_217 = arith.constant 0 : index
        %get3A_218 = vector.load %arg2[%get3A_216, %get3A_217] : memref<40x128xf32, #tpu.memory_space<vmem>>, vector<1x128xf32>
        %get3A_219 = arith.index_cast %min3A_209 : i32 to index
        %get3A_220 = arith.constant 0 : index
        %get3A_221 = vector.load %arg3[%get3A_219, %get3A_220] : memref<40x128xf32, #tpu.memory_space<vmem>>, vector<1x128xf32>
        %get3A_222 = arith.index_cast %min3A_209 : i32 to index
        %get3A_223 = arith.constant 0 : index
        %get3A_224 = vector.load %arg4[%get3A_222, %get3A_223] : memref<40x128xf32, #tpu.memory_space<vmem>>, vector<1x128xf32>
        %min3A_225 = vector.broadcast %broadcast_in_dim3A_27 : vector<128x1xf32> to vector<128x128xf32>
        %min3A_226 = vector.broadcast %get3A_218 : vector<1x128xf32> to vector<128x128xf32>
        %min3A_227 = arith.minimumf %min3A_225, %min3A_226 : vector<128x128xf32>
        %max3A_228 = vector.broadcast %broadcast_in_dim3A_13 : vector<128x1xf32> to vector<128x128xf32>
        %max3A_229 = vector.broadcast %get3A_212 : vector<1x128xf32> to vector<128x128xf32>
        %max3A_230 = arith.maximumf %max3A_228, %max3A_229 : vector<128x128xf32>
        %sub3A_231 = arith.subf %min3A_227, %max3A_230 : vector<128x128xf32>
        %max3A_232 = arith.constant 0.000000e+00 : f32
        %max3A_233 = vector.broadcast %max3A_232 : f32 to vector<128x128xf32>
        %max3A_234 = arith.maximumf %max3A_233, %sub3A_231 : vector<128x128xf32>
        %min3A_235 = vector.broadcast %broadcast_in_dim3A_34 : vector<128x1xf32> to vector<128x128xf32>
        %min3A_236 = vector.broadcast %get3A_221 : vector<1x128xf32> to vector<128x128xf32>
        %min3A_237 = arith.minimumf %min3A_235, %min3A_236 : vector<128x128xf32>
        %max3A_238 = vector.broadcast %broadcast_in_dim3A_20 : vector<128x1xf32> to vector<128x128xf32>
        %max3A_239 = vector.broadcast %get3A_215 : vector<1x128xf32> to vector<128x128xf32>
        %max3A_240 = arith.maximumf %max3A_238, %max3A_239 : vector<128x128xf32>
        %sub3A_241 = arith.subf %min3A_237, %max3A_240 : vector<128x128xf32>
        %max3A_242 = arith.constant 0.000000e+00 : f32
        %max3A_243 = vector.broadcast %max3A_242 : f32 to vector<128x128xf32>
        %max3A_244 = arith.maximumf %max3A_243, %sub3A_241 : vector<128x128xf32>
        %mul3A_245 = arith.mulf %max3A_234, %max3A_244 : vector<128x128xf32>
        %add3A_246 = vector.broadcast %broadcast_in_dim3A_41 : vector<128x1xf32> to vector<128x128xf32>
        %add3A_247 = vector.broadcast %get3A_224 : vector<1x128xf32> to vector<128x128xf32>
        %add3A_248 = arith.addf %add3A_246, %add3A_247 : vector<128x128xf32>
        %sub3A_249 = arith.subf %add3A_248, %mul3A_245 : vector<128x128xf32>
        %div3A_250 = arith.divf %mul3A_245, %sub3A_249 : vector<128x128xf32>
        %gt3A_251 = arith.constant 5.000000e-01 : f32
        %gt3A_252 = vector.broadcast %gt3A_251 : f32 to vector<128x128xf32>
        %gt3A_253 = arith.cmpf ogt, %div3A_250, %gt3A_252 : vector<128x128xf32>
        %convert_element_type3A_254 = arith.extui %gt3A_253 : vector<128x128xi1> to vector<128x128xi32>
        %convert_element_type3A_255 = arith.sitofp %convert_element_type3A_254 : vector<128x128xi32> to vector<128x128xf32>
        %dot_general3A_256 = arith.constant dense<0.000000e+00> : vector<1x128xf32>
        %dot_general3A_257 = tpu.matmul %while3A_94#0, %convert_element_type3A_255, %dot_general3A_256 {dimension_numbers = #tpu.dot_dimension_numbers<[1], [0], [0], [1], [0, 0, 1, 1], [], []>, transpose_lhs_hint = false} : vector<1x128xf32>, vector<128x128xf32>, vector<1x128xf32> -> vector<1x128xf32>
        %get3A_258 = arith.index_cast %min3A_209 : i32 to index
        %get3A_259 = arith.constant 0 : index
        %get3A_260 = vector.load %arg12[%get3A_258, %get3A_259] : memref<40x128xf32, #tpu.memory_space<vmem>>, vector<1x128xf32>
        %gt3A_261 = arith.constant 5.000000e-01 : f32
        %gt3A_262 = vector.broadcast %gt3A_261 : f32 to vector<1x128xf32>
        %gt3A_263 = arith.cmpf ogt, %dot_general3A_257, %gt3A_262 : vector<1x128xf32>
        %convert_element_type3A_264 = arith.extui %gt3A_263 : vector<1x128xi1> to vector<1x128xi32>
        %convert_element_type3A_265 = arith.sitofp %convert_element_type3A_264 : vector<1x128xi32> to vector<1x128xf32>
        %max3A_266 = arith.maximumf %get3A_260, %convert_element_type3A_265 : vector<1x128xf32>
        %swap3A_267 = arith.index_cast %min3A_209 : i32 to index
        %swap3A_268 = arith.constant 0 : index
        %swap3A_269 = vector.load %arg12[%swap3A_267, %swap3A_268] : memref<40x128xf32, #tpu.memory_space<vmem>>, vector<1x128xf32>
        tpu.vector_store %arg12[%swap3A_267, %swap3A_268], %max3A_266 {strides = array<i32>} : memref<40x128xf32, #tpu.memory_space<vmem>>, vector<1x128xf32>,
        %add3A_270 = arith.constant 2 : i32
        %add3A_271 = arith.addi %add3A_142, %add3A_270 : i32
        %min3A_272 = arith.constant 39 : i32
        %min3A_273 = arith.minsi %add3A_271, %min3A_272 : i32
        %get3A_274 = arith.index_cast %min3A_273 : i32 to index
        %get3A_275 = arith.constant 0 : index
        %get3A_276 = vector.load %arg0[%get3A_274, %get3A_275] : memref<40x128xf32, #tpu.memory_space<vmem>>, vector<1x128xf32>
        %get3A_277 = arith.index_cast %min3A_273 : i32 to index
        %get3A_278 = arith.constant 0 : index
        %get3A_279 = vector.load %arg1[%get3A_277, %get3A_278] : memref<40x128xf32, #tpu.memory_space<vmem>>, vector<1x128xf32>
        %get3A_280 = arith.index_cast %min3A_273 : i32 to index
        %get3A_281 = arith.constant 0 : index
        %get3A_282 = vector.load %arg2[%get3A_280, %get3A_281] : memref<40x128xf32, #tpu.memory_space<vmem>>, vector<1x128xf32>
        %get3A_283 = arith.index_cast %min3A_273 : i32 to index
        %get3A_284 = arith.constant 0 : index
        %get3A_285 = vector.load %arg3[%get3A_283, %get3A_284] : memref<40x128xf32, #tpu.memory_space<vmem>>, vector<1x128xf32>
        %get3A_286 = arith.index_cast %min3A_273 : i32 to index
        %get3A_287 = arith.constant 0 : index
        %get3A_288 = vector.load %arg4[%get3A_286, %get3A_287] : memref<40x128xf32, #tpu.memory_space<vmem>>, vector<1x128xf32>
        %min3A_289 = vector.broadcast %broadcast_in_dim3A_27 : vector<128x1xf32> to vector<128x128xf32>
        %min3A_290 = vector.broadcast %get3A_282 : vector<1x128xf32> to vector<128x128xf32>
        %min3A_291 = arith.minimumf %min3A_289, %min3A_290 : vector<128x128xf32>
        %max3A_292 = vector.broadcast %broadcast_in_dim3A_13 : vector<128x1xf32> to vector<128x128xf32>
        %max3A_293 = vector.broadcast %get3A_276 : vector<1x128xf32> to vector<128x128xf32>
        %max3A_294 = arith.maximumf %max3A_292, %max3A_293 : vector<128x128xf32>
        %sub3A_295 = arith.subf %min3A_291, %max3A_294 : vector<128x128xf32>
        %max3A_296 = arith.constant 0.000000e+00 : f32
        %max3A_297 = vector.broadcast %max3A_296 : f32 to vector<128x128xf32>
        %max3A_298 = arith.maximumf %max3A_297, %sub3A_295 : vector<128x128xf32>
        %min3A_299 = vector.broadcast %broadcast_in_dim3A_34 : vector<128x1xf32> to vector<128x128xf32>
        %min3A_300 = vector.broadcast %get3A_285 : vector<1x128xf32> to vector<128x128xf32>
        %min3A_301 = arith.minimumf %min3A_299, %min3A_300 : vector<128x128xf32>
        %max3A_302 = vector.broadcast %broadcast_in_dim3A_20 : vector<128x1xf32> to vector<128x128xf32>
        %max3A_303 = vector.broadcast %get3A_279 : vector<1x128xf32> to vector<128x128xf32>
        %max3A_304 = arith.maximumf %max3A_302, %max3A_303 : vector<128x128xf32>
        %sub3A_305 = arith.subf %min3A_301, %max3A_304 : vector<128x128xf32>
        %max3A_306 = arith.constant 0.000000e+00 : f32
        %max3A_307 = vector.broadcast %max3A_306 : f32 to vector<128x128xf32>
        %max3A_308 = arith.maximumf %max3A_307, %sub3A_305 : vector<128x128xf32>
        %mul3A_309 = arith.mulf %max3A_298, %max3A_308 : vector<128x128xf32>
        %add3A_310 = vector.broadcast %broadcast_in_dim3A_41 : vector<128x1xf32> to vector<128x128xf32>
        %add3A_311 = vector.broadcast %get3A_288 : vector<1x128xf32> to vector<128x128xf32>
        %add3A_312 = arith.addf %add3A_310, %add3A_311 : vector<128x128xf32>
        %sub3A_313 = arith.subf %add3A_312, %mul3A_309 : vector<128x128xf32>
        %div3A_314 = arith.divf %mul3A_309, %sub3A_313 : vector<128x128xf32>
        %gt3A_315 = arith.constant 5.000000e-01 : f32
        %gt3A_316 = vector.broadcast %gt3A_315 : f32 to vector<128x128xf32>
        %gt3A_317 = arith.cmpf ogt, %div3A_314, %gt3A_316 : vector<128x128xf32>
        %convert_element_type3A_318 = arith.extui %gt3A_317 : vector<128x128xi1> to vector<128x128xi32>
        %convert_element_type3A_319 = arith.sitofp %convert_element_type3A_318 : vector<128x128xi32> to vector<128x128xf32>
        %dot_general3A_320 = arith.constant dense<0.000000e+00> : vector<1x128xf32>
        %dot_general3A_321 = tpu.matmul %while3A_94#0, %convert_element_type3A_319, %dot_general3A_320 {dimension_numbers = #tpu.dot_dimension_numbers<[1], [0], [0], [1], [0, 0, 1, 1], [], []>, transpose_lhs_hint = false} : vector<1x128xf32>, vector<128x128xf32>, vector<1x128xf32> -> vector<1x128xf32>
        %get3A_322 = arith.index_cast %min3A_273 : i32 to index
        %get3A_323 = arith.constant 0 : index
        %get3A_324 = vector.load %arg12[%get3A_322, %get3A_323] : memref<40x128xf32, #tpu.memory_space<vmem>>, vector<1x128xf32>
        %gt3A_325 = arith.constant 5.000000e-01 : f32
        %gt3A_326 = vector.broadcast %gt3A_325 : f32 to vector<1x128xf32>
        %gt3A_327 = arith.cmpf ogt, %dot_general3A_321, %gt3A_326 : vector<1x128xf32>
        %convert_element_type3A_328 = arith.extui %gt3A_327 : vector<1x128xi1> to vector<1x128xi32>
        %convert_element_type3A_329 = arith.sitofp %convert_element_type3A_328 : vector<1x128xi32> to vector<1x128xf32>
        %max3A_330 = arith.maximumf %get3A_324, %convert_element_type3A_329 : vector<1x128xf32>
        %swap3A_331 = arith.index_cast %min3A_273 : i32 to index
        %swap3A_332 = arith.constant 0 : index
        %swap3A_333 = vector.load %arg12[%swap3A_331, %swap3A_332] : memref<40x128xf32, #tpu.memory_space<vmem>>, vector<1x128xf32>
        tpu.vector_store %arg12[%swap3A_331, %swap3A_332], %max3A_330 {strides = array<i32>} : memref<40x128xf32, #tpu.memory_space<vmem>>, vector<1x128xf32>,
        %add3A_334 = arith.constant 3 : i32
        %add3A_335 = arith.addi %add3A_142, %add3A_334 : i32
        %min3A_336 = arith.constant 39 : i32
        %min3A_337 = arith.minsi %add3A_335, %min3A_336 : i32
        %get3A_338 = arith.index_cast %min3A_337 : i32 to index
        %get3A_339 = arith.constant 0 : index
        %get3A_340 = vector.load %arg0[%get3A_338, %get3A_339] : memref<40x128xf32, #tpu.memory_space<vmem>>, vector<1x128xf32>
        %get3A_341 = arith.index_cast %min3A_337 : i32 to index
        %get3A_342 = arith.constant 0 : index
        %get3A_343 = vector.load %arg1[%get3A_341, %get3A_342] : memref<40x128xf32, #tpu.memory_space<vmem>>, vector<1x128xf32>
        %get3A_344 = arith.index_cast %min3A_337 : i32 to index
        %get3A_345 = arith.constant 0 : index
        %get3A_346 = vector.load %arg2[%get3A_344, %get3A_345] : memref<40x128xf32, #tpu.memory_space<vmem>>, vector<1x128xf32>
        %get3A_347 = arith.index_cast %min3A_337 : i32 to index
        %get3A_348 = arith.constant 0 : index
        %get3A_349 = vector.load %arg3[%get3A_347, %get3A_348] : memref<40x128xf32, #tpu.memory_space<vmem>>, vector<1x128xf32>
        %get3A_350 = arith.index_cast %min3A_337 : i32 to index
        %get3A_351 = arith.constant 0 : index
        %get3A_352 = vector.load %arg4[%get3A_350, %get3A_351] : memref<40x128xf32, #tpu.memory_space<vmem>>, vector<1x128xf32>
        %min3A_353 = vector.broadcast %broadcast_in_dim3A_27 : vector<128x1xf32> to vector<128x128xf32>
        %min3A_354 = vector.broadcast %get3A_346 : vector<1x128xf32> to vector<128x128xf32>
        %min3A_355 = arith.minimumf %min3A_353, %min3A_354 : vector<128x128xf32>
        %max3A_356 = vector.broadcast %broadcast_in_dim3A_13 : vector<128x1xf32> to vector<128x128xf32>
        %max3A_357 = vector.broadcast %get3A_340 : vector<1x128xf32> to vector<128x128xf32>
        %max3A_358 = arith.maximumf %max3A_356, %max3A_357 : vector<128x128xf32>
        %sub3A_359 = arith.subf %min3A_355, %max3A_358 : vector<128x128xf32>
        %max3A_360 = arith.constant 0.000000e+00 : f32
        %max3A_361 = vector.broadcast %max3A_360 : f32 to vector<128x128xf32>
        %max3A_362 = arith.maximumf %max3A_361, %sub3A_359 : vector<128x128xf32>
        %min3A_363 = vector.broadcast %broadcast_in_dim3A_34 : vector<128x1xf32> to vector<128x128xf32>
        %min3A_364 = vector.broadcast %get3A_349 : vector<1x128xf32> to vector<128x128xf32>
        %min3A_365 = arith.minimumf %min3A_363, %min3A_364 : vector<128x128xf32>
        %max3A_366 = vector.broadcast %broadcast_in_dim3A_20 : vector<128x1xf32> to vector<128x128xf32>
        %max3A_367 = vector.broadcast %get3A_343 : vector<1x128xf32> to vector<128x128xf32>
        %max3A_368 = arith.maximumf %max3A_366, %max3A_367 : vector<128x128xf32>
        %sub3A_369 = arith.subf %min3A_365, %max3A_368 : vector<128x128xf32>
        %max3A_370 = arith.constant 0.000000e+00 : f32
        %max3A_371 = vector.broadcast %max3A_370 : f32 to vector<128x128xf32>
        %max3A_372 = arith.maximumf %max3A_371, %sub3A_369 : vector<128x128xf32>
        %mul3A_373 = arith.mulf %max3A_362, %max3A_372 : vector<128x128xf32>
        %add3A_374 = vector.broadcast %broadcast_in_dim3A_41 : vector<128x1xf32> to vector<128x128xf32>
        %add3A_375 = vector.broadcast %get3A_352 : vector<1x128xf32> to vector<128x128xf32>
        %add3A_376 = arith.addf %add3A_374, %add3A_375 : vector<128x128xf32>
        %sub3A_377 = arith.subf %add3A_376, %mul3A_373 : vector<128x128xf32>
        %div3A_378 = arith.divf %mul3A_373, %sub3A_377 : vector<128x128xf32>
        %gt3A_379 = arith.constant 5.000000e-01 : f32
        %gt3A_380 = vector.broadcast %gt3A_379 : f32 to vector<128x128xf32>
        %gt3A_381 = arith.cmpf ogt, %div3A_378, %gt3A_380 : vector<128x128xf32>
        %convert_element_type3A_382 = arith.extui %gt3A_381 : vector<128x128xi1> to vector<128x128xi32>
        %convert_element_type3A_383 = arith.sitofp %convert_element_type3A_382 : vector<128x128xi32> to vector<128x128xf32>
        %dot_general3A_384 = arith.constant dense<0.000000e+00> : vector<1x128xf32>
        %dot_general3A_385 = tpu.matmul %while3A_94#0, %convert_element_type3A_383, %dot_general3A_384 {dimension_numbers = #tpu.dot_dimension_numbers<[1], [0], [0], [1], [0, 0, 1, 1], [], []>, transpose_lhs_hint = false} : vector<1x128xf32>, vector<128x128xf32>, vector<1x128xf32> -> vector<1x128xf32>
        %get3A_386 = arith.index_cast %min3A_337 : i32 to index
        %get3A_387 = arith.constant 0 : index
        %get3A_388 = vector.load %arg12[%get3A_386, %get3A_387] : memref<40x128xf32, #tpu.memory_space<vmem>>, vector<1x128xf32>
        %gt3A_389 = arith.constant 5.000000e-01 : f32
        %gt3A_390 = vector.broadcast %gt3A_389 : f32 to vector<1x128xf32>
        %gt3A_391 = arith.cmpf ogt, %dot_general3A_385, %gt3A_390 : vector<1x128xf32>
        %convert_element_type3A_392 = arith.extui %gt3A_391 : vector<1x128xi1> to vector<1x128xi32>
        %convert_element_type3A_393 = arith.sitofp %convert_element_type3A_392 : vector<1x128xi32> to vector<1x128xf32>
        %max3A_394 = arith.maximumf %get3A_388, %convert_element_type3A_393 : vector<1x128xf32>
        %swap3A_395 = arith.index_cast %min3A_337 : i32 to index
        %swap3A_396 = arith.constant 0 : index
        %swap3A_397 = vector.load %arg12[%swap3A_395, %swap3A_396] : memref<40x128xf32, #tpu.memory_space<vmem>>, vector<1x128xf32>
        tpu.vector_store %arg12[%swap3A_395, %swap3A_396], %max3A_394 {strides = array<i32>} : memref<40x128xf32, #tpu.memory_space<vmem>>, vector<1x128xf32>,
        %add3A_398 = arith.constant 4 : i32
        %add3A_399 = arith.addi %add3A_142, %add3A_398 : i32
        %min3A_400 = arith.constant 39 : i32
        %min3A_401 = arith.minsi %add3A_399, %min3A_400 : i32
        %get3A_402 = arith.index_cast %min3A_401 : i32 to index
        %get3A_403 = arith.constant 0 : index
        %get3A_404 = vector.load %arg0[%get3A_402, %get3A_403] : memref<40x128xf32, #tpu.memory_space<vmem>>, vector<1x128xf32>
        %get3A_405 = arith.index_cast %min3A_401 : i32 to index
        %get3A_406 = arith.constant 0 : index
        %get3A_407 = vector.load %arg1[%get3A_405, %get3A_406] : memref<40x128xf32, #tpu.memory_space<vmem>>, vector<1x128xf32>
        %get3A_408 = arith.index_cast %min3A_401 : i32 to index
        %get3A_409 = arith.constant 0 : index
        %get3A_410 = vector.load %arg2[%get3A_408, %get3A_409] : memref<40x128xf32, #tpu.memory_space<vmem>>, vector<1x128xf32>
        %get3A_411 = arith.index_cast %min3A_401 : i32 to index
        %get3A_412 = arith.constant 0 : index
        %get3A_413 = vector.load %arg3[%get3A_411, %get3A_412] : memref<40x128xf32, #tpu.memory_space<vmem>>, vector<1x128xf32>
        %get3A_414 = arith.index_cast %min3A_401 : i32 to index
        %get3A_415 = arith.constant 0 : index
        %get3A_416 = vector.load %arg4[%get3A_414, %get3A_415] : memref<40x128xf32, #tpu.memory_space<vmem>>, vector<1x128xf32>
        %min3A_417 = vector.broadcast %broadcast_in_dim3A_27 : vector<128x1xf32> to vector<128x128xf32>
        %min3A_418 = vector.broadcast %get3A_410 : vector<1x128xf32> to vector<128x128xf32>
        %min3A_419 = arith.minimumf %min3A_417, %min3A_418 : vector<128x128xf32>
        %max3A_420 = vector.broadcast %broadcast_in_dim3A_13 : vector<128x1xf32> to vector<128x128xf32>
        %max3A_421 = vector.broadcast %get3A_404 : vector<1x128xf32> to vector<128x128xf32>
        %max3A_422 = arith.maximumf %max3A_420, %max3A_421 : vector<128x128xf32>
        %sub3A_423 = arith.subf %min3A_419, %max3A_422 : vector<128x128xf32>
        %max3A_424 = arith.constant 0.000000e+00 : f32
        %max3A_425 = vector.broadcast %max3A_424 : f32 to vector<128x128xf32>
        %max3A_426 = arith.maximumf %max3A_425, %sub3A_423 : vector<128x128xf32>
        %min3A_427 = vector.broadcast %broadcast_in_dim3A_34 : vector<128x1xf32> to vector<128x128xf32>
        %min3A_428 = vector.broadcast %get3A_413 : vector<1x128xf32> to vector<128x128xf32>
        %min3A_429 = arith.minimumf %min3A_427, %min3A_428 : vector<128x128xf32>
        %max3A_430 = vector.broadcast %broadcast_in_dim3A_20 : vector<128x1xf32> to vector<128x128xf32>
        %max3A_431 = vector.broadcast %get3A_407 : vector<1x128xf32> to vector<128x128xf32>
        %max3A_432 = arith.maximumf %max3A_430, %max3A_431 : vector<128x128xf32>
        %sub3A_433 = arith.subf %min3A_429, %max3A_432 : vector<128x128xf32>
        %max3A_434 = arith.constant 0.000000e+00 : f32
        %max3A_435 = vector.broadcast %max3A_434 : f32 to vector<128x128xf32>
        %max3A_436 = arith.maximumf %max3A_435, %sub3A_433 : vector<128x128xf32>
        %mul3A_437 = arith.mulf %max3A_426, %max3A_436 : vector<128x128xf32>
        %add3A_438 = vector.broadcast %broadcast_in_dim3A_41 : vector<128x1xf32> to vector<128x128xf32>
        %add3A_439 = vector.broadcast %get3A_416 : vector<1x128xf32> to vector<128x128xf32>
        %add3A_440 = arith.addf %add3A_438, %add3A_439 : vector<128x128xf32>
        %sub3A_441 = arith.subf %add3A_440, %mul3A_437 : vector<128x128xf32>
        %div3A_442 = arith.divf %mul3A_437, %sub3A_441 : vector<128x128xf32>
        %gt3A_443 = arith.constant 5.000000e-01 : f32
        %gt3A_444 = vector.broadcast %gt3A_443 : f32 to vector<128x128xf32>
        %gt3A_445 = arith.cmpf ogt, %div3A_442, %gt3A_444 : vector<128x128xf32>
        %convert_element_type3A_446 = arith.extui %gt3A_445 : vector<128x128xi1> to vector<128x128xi32>
        %convert_element_type3A_447 = arith.sitofp %convert_element_type3A_446 : vector<128x128xi32> to vector<128x128xf32>
        %dot_general3A_448 = arith.constant dense<0.000000e+00> : vector<1x128xf32>
        %dot_general3A_449 = tpu.matmul %while3A_94#0, %convert_element_type3A_447, %dot_general3A_448 {dimension_numbers = #tpu.dot_dimension_numbers<[1], [0], [0], [1], [0, 0, 1, 1], [], []>, transpose_lhs_hint = false} : vector<1x128xf32>, vector<128x128xf32>, vector<1x128xf32> -> vector<1x128xf32>
        %get3A_450 = arith.index_cast %min3A_401 : i32 to index
        %get3A_451 = arith.constant 0 : index
        %get3A_452 = vector.load %arg12[%get3A_450, %get3A_451] : memref<40x128xf32, #tpu.memory_space<vmem>>, vector<1x128xf32>
        %gt3A_453 = arith.constant 5.000000e-01 : f32
        %gt3A_454 = vector.broadcast %gt3A_453 : f32 to vector<1x128xf32>
        %gt3A_455 = arith.cmpf ogt, %dot_general3A_449, %gt3A_454 : vector<1x128xf32>
        %convert_element_type3A_456 = arith.extui %gt3A_455 : vector<1x128xi1> to vector<1x128xi32>
        %convert_element_type3A_457 = arith.sitofp %convert_element_type3A_456 : vector<1x128xi32> to vector<1x128xf32>
        %max3A_458 = arith.maximumf %get3A_452, %convert_element_type3A_457 : vector<1x128xf32>
        %swap3A_459 = arith.index_cast %min3A_401 : i32 to index
        %swap3A_460 = arith.constant 0 : index
        %swap3A_461 = vector.load %arg12[%swap3A_459, %swap3A_460] : memref<40x128xf32, #tpu.memory_space<vmem>>, vector<1x128xf32>
        tpu.vector_store %arg12[%swap3A_459, %swap3A_460], %max3A_458 {strides = array<i32>} : memref<40x128xf32, #tpu.memory_space<vmem>>, vector<1x128xf32>,
        %add3A_462 = arith.constant 5 : i32
        %add3A_463 = arith.addi %add3A_142, %add3A_462 : i32
        %min3A_464 = arith.constant 39 : i32
        %min3A_465 = arith.minsi %add3A_463, %min3A_464 : i32
        %get3A_466 = arith.index_cast %min3A_465 : i32 to index
        %get3A_467 = arith.constant 0 : index
        %get3A_468 = vector.load %arg0[%get3A_466, %get3A_467] : memref<40x128xf32, #tpu.memory_space<vmem>>, vector<1x128xf32>
        %get3A_469 = arith.index_cast %min3A_465 : i32 to index
        %get3A_470 = arith.constant 0 : index
        %get3A_471 = vector.load %arg1[%get3A_469, %get3A_470] : memref<40x128xf32, #tpu.memory_space<vmem>>, vector<1x128xf32>
        %get3A_472 = arith.index_cast %min3A_465 : i32 to index
        %get3A_473 = arith.constant 0 : index
        %get3A_474 = vector.load %arg2[%get3A_472, %get3A_473] : memref<40x128xf32, #tpu.memory_space<vmem>>, vector<1x128xf32>
        %get3A_475 = arith.index_cast %min3A_465 : i32 to index
        %get3A_476 = arith.constant 0 : index
        %get3A_477 = vector.load %arg3[%get3A_475, %get3A_476] : memref<40x128xf32, #tpu.memory_space<vmem>>, vector<1x128xf32>
        %get3A_478 = arith.index_cast %min3A_465 : i32 to index
        %get3A_479 = arith.constant 0 : index
        %get3A_480 = vector.load %arg4[%get3A_478, %get3A_479] : memref<40x128xf32, #tpu.memory_space<vmem>>, vector<1x128xf32>
        %min3A_481 = vector.broadcast %broadcast_in_dim3A_27 : vector<128x1xf32> to vector<128x128xf32>
        %min3A_482 = vector.broadcast %get3A_474 : vector<1x128xf32> to vector<128x128xf32>
        %min3A_483 = arith.minimumf %min3A_481, %min3A_482 : vector<128x128xf32>
        %max3A_484 = vector.broadcast %broadcast_in_dim3A_13 : vector<128x1xf32> to vector<128x128xf32>
        %max3A_485 = vector.broadcast %get3A_468 : vector<1x128xf32> to vector<128x128xf32>
        %max3A_486 = arith.maximumf %max3A_484, %max3A_485 : vector<128x128xf32>
        %sub3A_487 = arith.subf %min3A_483, %max3A_486 : vector<128x128xf32>
        %max3A_488 = arith.constant 0.000000e+00 : f32
        %max3A_489 = vector.broadcast %max3A_488 : f32 to vector<128x128xf32>
        %max3A_490 = arith.maximumf %max3A_489, %sub3A_487 : vector<128x128xf32>
        %min3A_491 = vector.broadcast %broadcast_in_dim3A_34 : vector<128x1xf32> to vector<128x128xf32>
        %min3A_492 = vector.broadcast %get3A_477 : vector<1x128xf32> to vector<128x128xf32>
        %min3A_493 = arith.minimumf %min3A_491, %min3A_492 : vector<128x128xf32>
        %max3A_494 = vector.broadcast %broadcast_in_dim3A_20 : vector<128x1xf32> to vector<128x128xf32>
        %max3A_495 = vector.broadcast %get3A_471 : vector<1x128xf32> to vector<128x128xf32>
        %max3A_496 = arith.maximumf %max3A_494, %max3A_495 : vector<128x128xf32>
        %sub3A_497 = arith.subf %min3A_493, %max3A_496 : vector<128x128xf32>
        %max3A_498 = arith.constant 0.000000e+00 : f32
        %max3A_499 = vector.broadcast %max3A_498 : f32 to vector<128x128xf32>
        %max3A_500 = arith.maximumf %max3A_499, %sub3A_497 : vector<128x128xf32>
        %mul3A_501 = arith.mulf %max3A_490, %max3A_500 : vector<128x128xf32>
        %add3A_502 = vector.broadcast %broadcast_in_dim3A_41 : vector<128x1xf32> to vector<128x128xf32>
        %add3A_503 = vector.broadcast %get3A_480 : vector<1x128xf32> to vector<128x128xf32>
        %add3A_504 = arith.addf %add3A_502, %add3A_503 : vector<128x128xf32>
        %sub3A_505 = arith.subf %add3A_504, %mul3A_501 : vector<128x128xf32>
        %div3A_506 = arith.divf %mul3A_501, %sub3A_505 : vector<128x128xf32>
        %gt3A_507 = arith.constant 5.000000e-01 : f32
        %gt3A_508 = vector.broadcast %gt3A_507 : f32 to vector<128x128xf32>
        %gt3A_509 = arith.cmpf ogt, %div3A_506, %gt3A_508 : vector<128x128xf32>
        %convert_element_type3A_510 = arith.extui %gt3A_509 : vector<128x128xi1> to vector<128x128xi32>
        %convert_element_type3A_511 = arith.sitofp %convert_element_type3A_510 : vector<128x128xi32> to vector<128x128xf32>
        %dot_general3A_512 = arith.constant dense<0.000000e+00> : vector<1x128xf32>
        %dot_general3A_513 = tpu.matmul %while3A_94#0, %convert_element_type3A_511, %dot_general3A_512 {dimension_numbers = #tpu.dot_dimension_numbers<[1], [0], [0], [1], [0, 0, 1, 1], [], []>, transpose_lhs_hint = false} : vector<1x128xf32>, vector<128x128xf32>, vector<1x128xf32> -> vector<1x128xf32>
        %get3A_514 = arith.index_cast %min3A_465 : i32 to index
        %get3A_515 = arith.constant 0 : index
        %get3A_516 = vector.load %arg12[%get3A_514, %get3A_515] : memref<40x128xf32, #tpu.memory_space<vmem>>, vector<1x128xf32>
        %gt3A_517 = arith.constant 5.000000e-01 : f32
        %gt3A_518 = vector.broadcast %gt3A_517 : f32 to vector<1x128xf32>
        %gt3A_519 = arith.cmpf ogt, %dot_general3A_513, %gt3A_518 : vector<1x128xf32>
        %convert_element_type3A_520 = arith.extui %gt3A_519 : vector<1x128xi1> to vector<1x128xi32>
        %convert_element_type3A_521 = arith.sitofp %convert_element_type3A_520 : vector<1x128xi32> to vector<1x128xf32>
        %max3A_522 = arith.maximumf %get3A_516, %convert_element_type3A_521 : vector<1x128xf32>
        %swap3A_523 = arith.index_cast %min3A_465 : i32 to index
        %swap3A_524 = arith.constant 0 : index
        %swap3A_525 = vector.load %arg12[%swap3A_523, %swap3A_524] : memref<40x128xf32, #tpu.memory_space<vmem>>, vector<1x128xf32>
        tpu.vector_store %arg12[%swap3A_523, %swap3A_524], %max3A_522 {strides = array<i32>} : memref<40x128xf32, #tpu.memory_space<vmem>>, vector<1x128xf32>,
        %add3A_526 = arith.constant 6 : i32
        %add3A_527 = arith.addi %add3A_142, %add3A_526 : i32
        %min3A_528 = arith.constant 39 : i32
        %min3A_529 = arith.minsi %add3A_527, %min3A_528 : i32
        %get3A_530 = arith.index_cast %min3A_529 : i32 to index
        %get3A_531 = arith.constant 0 : index
        %get3A_532 = vector.load %arg0[%get3A_530, %get3A_531] : memref<40x128xf32, #tpu.memory_space<vmem>>, vector<1x128xf32>
        %get3A_533 = arith.index_cast %min3A_529 : i32 to index
        %get3A_534 = arith.constant 0 : index
        %get3A_535 = vector.load %arg1[%get3A_533, %get3A_534] : memref<40x128xf32, #tpu.memory_space<vmem>>, vector<1x128xf32>
        %get3A_536 = arith.index_cast %min3A_529 : i32 to index
        %get3A_537 = arith.constant 0 : index
        %get3A_538 = vector.load %arg2[%get3A_536, %get3A_537] : memref<40x128xf32, #tpu.memory_space<vmem>>, vector<1x128xf32>
        %get3A_539 = arith.index_cast %min3A_529 : i32 to index
        %get3A_540 = arith.constant 0 : index
        %get3A_541 = vector.load %arg3[%get3A_539, %get3A_540] : memref<40x128xf32, #tpu.memory_space<vmem>>, vector<1x128xf32>
        %get3A_542 = arith.index_cast %min3A_529 : i32 to index
        %get3A_543 = arith.constant 0 : index
        %get3A_544 = vector.load %arg4[%get3A_542, %get3A_543] : memref<40x128xf32, #tpu.memory_space<vmem>>, vector<1x128xf32>
        %min3A_545 = vector.broadcast %broadcast_in_dim3A_27 : vector<128x1xf32> to vector<128x128xf32>
        %min3A_546 = vector.broadcast %get3A_538 : vector<1x128xf32> to vector<128x128xf32>
        %min3A_547 = arith.minimumf %min3A_545, %min3A_546 : vector<128x128xf32>
        %max3A_548 = vector.broadcast %broadcast_in_dim3A_13 : vector<128x1xf32> to vector<128x128xf32>
        %max3A_549 = vector.broadcast %get3A_532 : vector<1x128xf32> to vector<128x128xf32>
        %max3A_550 = arith.maximumf %max3A_548, %max3A_549 : vector<128x128xf32>
        %sub3A_551 = arith.subf %min3A_547, %max3A_550 : vector<128x128xf32>
        %max3A_552 = arith.constant 0.000000e+00 : f32
        %max3A_553 = vector.broadcast %max3A_552 : f32 to vector<128x128xf32>
        %max3A_554 = arith.maximumf %max3A_553, %sub3A_551 : vector<128x128xf32>
        %min3A_555 = vector.broadcast %broadcast_in_dim3A_34 : vector<128x1xf32> to vector<128x128xf32>
        %min3A_556 = vector.broadcast %get3A_541 : vector<1x128xf32> to vector<128x128xf32>
        %min3A_557 = arith.minimumf %min3A_555, %min3A_556 : vector<128x128xf32>
        %max3A_558 = vector.broadcast %broadcast_in_dim3A_20 : vector<128x1xf32> to vector<128x128xf32>
        %max3A_559 = vector.broadcast %get3A_535 : vector<1x128xf32> to vector<128x128xf32>
        %max3A_560 = arith.maximumf %max3A_558, %max3A_559 : vector<128x128xf32>
        %sub3A_561 = arith.subf %min3A_557, %max3A_560 : vector<128x128xf32>
        %max3A_562 = arith.constant 0.000000e+00 : f32
        %max3A_563 = vector.broadcast %max3A_562 : f32 to vector<128x128xf32>
        %max3A_564 = arith.maximumf %max3A_563, %sub3A_561 : vector<128x128xf32>
        %mul3A_565 = arith.mulf %max3A_554, %max3A_564 : vector<128x128xf32>
        %add3A_566 = vector.broadcast %broadcast_in_dim3A_41 : vector<128x1xf32> to vector<128x128xf32>
        %add3A_567 = vector.broadcast %get3A_544 : vector<1x128xf32> to vector<128x128xf32>
        %add3A_568 = arith.addf %add3A_566, %add3A_567 : vector<128x128xf32>
        %sub3A_569 = arith.subf %add3A_568, %mul3A_565 : vector<128x128xf32>
        %div3A_570 = arith.divf %mul3A_565, %sub3A_569 : vector<128x128xf32>
        %gt3A_571 = arith.constant 5.000000e-01 : f32
        %gt3A_572 = vector.broadcast %gt3A_571 : f32 to vector<128x128xf32>
        %gt3A_573 = arith.cmpf ogt, %div3A_570, %gt3A_572 : vector<128x128xf32>
        %convert_element_type3A_574 = arith.extui %gt3A_573 : vector<128x128xi1> to vector<128x128xi32>
        %convert_element_type3A_575 = arith.sitofp %convert_element_type3A_574 : vector<128x128xi32> to vector<128x128xf32>
        %dot_general3A_576 = arith.constant dense<0.000000e+00> : vector<1x128xf32>
        %dot_general3A_577 = tpu.matmul %while3A_94#0, %convert_element_type3A_575, %dot_general3A_576 {dimension_numbers = #tpu.dot_dimension_numbers<[1], [0], [0], [1], [0, 0, 1, 1], [], []>, transpose_lhs_hint = false} : vector<1x128xf32>, vector<128x128xf32>, vector<1x128xf32> -> vector<1x128xf32>
        %get3A_578 = arith.index_cast %min3A_529 : i32 to index
        %get3A_579 = arith.constant 0 : index
        %get3A_580 = vector.load %arg12[%get3A_578, %get3A_579] : memref<40x128xf32, #tpu.memory_space<vmem>>, vector<1x128xf32>
        %gt3A_581 = arith.constant 5.000000e-01 : f32
        %gt3A_582 = vector.broadcast %gt3A_581 : f32 to vector<1x128xf32>
        %gt3A_583 = arith.cmpf ogt, %dot_general3A_577, %gt3A_582 : vector<1x128xf32>
        %convert_element_type3A_584 = arith.extui %gt3A_583 : vector<1x128xi1> to vector<1x128xi32>
        %convert_element_type3A_585 = arith.sitofp %convert_element_type3A_584 : vector<1x128xi32> to vector<1x128xf32>
        %max3A_586 = arith.maximumf %get3A_580, %convert_element_type3A_585 : vector<1x128xf32>
        %swap3A_587 = arith.index_cast %min3A_529 : i32 to index
        %swap3A_588 = arith.constant 0 : index
        %swap3A_589 = vector.load %arg12[%swap3A_587, %swap3A_588] : memref<40x128xf32, #tpu.memory_space<vmem>>, vector<1x128xf32>
        tpu.vector_store %arg12[%swap3A_587, %swap3A_588], %max3A_586 {strides = array<i32>} : memref<40x128xf32, #tpu.memory_space<vmem>>, vector<1x128xf32>,
        %add3A_590 = arith.constant 7 : i32
        %add3A_591 = arith.addi %add3A_142, %add3A_590 : i32
        %min3A_592 = arith.constant 39 : i32
        %min3A_593 = arith.minsi %add3A_591, %min3A_592 : i32
        %get3A_594 = arith.index_cast %min3A_593 : i32 to index
        %get3A_595 = arith.constant 0 : index
        %get3A_596 = vector.load %arg0[%get3A_594, %get3A_595] : memref<40x128xf32, #tpu.memory_space<vmem>>, vector<1x128xf32>
        %get3A_597 = arith.index_cast %min3A_593 : i32 to index
        %get3A_598 = arith.constant 0 : index
        %get3A_599 = vector.load %arg1[%get3A_597, %get3A_598] : memref<40x128xf32, #tpu.memory_space<vmem>>, vector<1x128xf32>
        %get3A_600 = arith.index_cast %min3A_593 : i32 to index
        %get3A_601 = arith.constant 0 : index
        %get3A_602 = vector.load %arg2[%get3A_600, %get3A_601] : memref<40x128xf32, #tpu.memory_space<vmem>>, vector<1x128xf32>
        %get3A_603 = arith.index_cast %min3A_593 : i32 to index
        %get3A_604 = arith.constant 0 : index
        %get3A_605 = vector.load %arg3[%get3A_603, %get3A_604] : memref<40x128xf32, #tpu.memory_space<vmem>>, vector<1x128xf32>
        %get3A_606 = arith.index_cast %min3A_593 : i32 to index
        %get3A_607 = arith.constant 0 : index
        %get3A_608 = vector.load %arg4[%get3A_606, %get3A_607] : memref<40x128xf32, #tpu.memory_space<vmem>>, vector<1x128xf32>
        %min3A_609 = vector.broadcast %broadcast_in_dim3A_27 : vector<128x1xf32> to vector<128x128xf32>
        %min3A_610 = vector.broadcast %get3A_602 : vector<1x128xf32> to vector<128x128xf32>
        %min3A_611 = arith.minimumf %min3A_609, %min3A_610 : vector<128x128xf32>
        %max3A_612 = vector.broadcast %broadcast_in_dim3A_13 : vector<128x1xf32> to vector<128x128xf32>
        %max3A_613 = vector.broadcast %get3A_596 : vector<1x128xf32> to vector<128x128xf32>
        %max3A_614 = arith.maximumf %max3A_612, %max3A_613 : vector<128x128xf32>
        %sub3A_615 = arith.subf %min3A_611, %max3A_614 : vector<128x128xf32>
        %max3A_616 = arith.constant 0.000000e+00 : f32
        %max3A_617 = vector.broadcast %max3A_616 : f32 to vector<128x128xf32>
        %max3A_618 = arith.maximumf %max3A_617, %sub3A_615 : vector<128x128xf32>
        %min3A_619 = vector.broadcast %broadcast_in_dim3A_34 : vector<128x1xf32> to vector<128x128xf32>
        %min3A_620 = vector.broadcast %get3A_605 : vector<1x128xf32> to vector<128x128xf32>
        %min3A_621 = arith.minimumf %min3A_619, %min3A_620 : vector<128x128xf32>
        %max3A_622 = vector.broadcast %broadcast_in_dim3A_20 : vector<128x1xf32> to vector<128x128xf32>
        %max3A_623 = vector.broadcast %get3A_599 : vector<1x128xf32> to vector<128x128xf32>
        %max3A_624 = arith.maximumf %max3A_622, %max3A_623 : vector<128x128xf32>
        %sub3A_625 = arith.subf %min3A_621, %max3A_624 : vector<128x128xf32>
        %max3A_626 = arith.constant 0.000000e+00 : f32
        %max3A_627 = vector.broadcast %max3A_626 : f32 to vector<128x128xf32>
        %max3A_628 = arith.maximumf %max3A_627, %sub3A_625 : vector<128x128xf32>
        %mul3A_629 = arith.mulf %max3A_618, %max3A_628 : vector<128x128xf32>
        %add3A_630 = vector.broadcast %broadcast_in_dim3A_41 : vector<128x1xf32> to vector<128x128xf32>
        %add3A_631 = vector.broadcast %get3A_608 : vector<1x128xf32> to vector<128x128xf32>
        %add3A_632 = arith.addf %add3A_630, %add3A_631 : vector<128x128xf32>
        %sub3A_633 = arith.subf %add3A_632, %mul3A_629 : vector<128x128xf32>
        %div3A_634 = arith.divf %mul3A_629, %sub3A_633 : vector<128x128xf32>
        %gt3A_635 = arith.constant 5.000000e-01 : f32
        %gt3A_636 = vector.broadcast %gt3A_635 : f32 to vector<128x128xf32>
        %gt3A_637 = arith.cmpf ogt, %div3A_634, %gt3A_636 : vector<128x128xf32>
        %convert_element_type3A_638 = arith.extui %gt3A_637 : vector<128x128xi1> to vector<128x128xi32>
        %convert_element_type3A_639 = arith.sitofp %convert_element_type3A_638 : vector<128x128xi32> to vector<128x128xf32>
        %dot_general3A_640 = arith.constant dense<0.000000e+00> : vector<1x128xf32>
        %dot_general3A_641 = tpu.matmul %while3A_94#0, %convert_element_type3A_639, %dot_general3A_640 {dimension_numbers = #tpu.dot_dimension_numbers<[1], [0], [0], [1], [0, 0, 1, 1], [], []>, transpose_lhs_hint = false} : vector<1x128xf32>, vector<128x128xf32>, vector<1x128xf32> -> vector<1x128xf32>
        %get3A_642 = arith.index_cast %min3A_593 : i32 to index
        %get3A_643 = arith.constant 0 : index
        %get3A_644 = vector.load %arg12[%get3A_642, %get3A_643] : memref<40x128xf32, #tpu.memory_space<vmem>>, vector<1x128xf32>
        %gt3A_645 = arith.constant 5.000000e-01 : f32
        %gt3A_646 = vector.broadcast %gt3A_645 : f32 to vector<1x128xf32>
        %gt3A_647 = arith.cmpf ogt, %dot_general3A_641, %gt3A_646 : vector<1x128xf32>
        %convert_element_type3A_648 = arith.extui %gt3A_647 : vector<1x128xi1> to vector<1x128xi32>
        %convert_element_type3A_649 = arith.sitofp %convert_element_type3A_648 : vector<1x128xi32> to vector<1x128xf32>
        %max3A_650 = arith.maximumf %get3A_644, %convert_element_type3A_649 : vector<1x128xf32>
        %swap3A_651 = arith.index_cast %min3A_593 : i32 to index
        %swap3A_652 = arith.constant 0 : index
        %swap3A_653 = vector.load %arg12[%swap3A_651, %swap3A_652] : memref<40x128xf32, #tpu.memory_space<vmem>>, vector<1x128xf32>
        tpu.vector_store %arg12[%swap3A_651, %swap3A_652], %max3A_650 {strides = array<i32>} : memref<40x128xf32, #tpu.memory_space<vmem>>, vector<1x128xf32>,
        %while3A_654 = arith.constant 0 : i32
        scf.yield %while3A_654 : i32
      }
    }
    %scan3A_6 = arith.constant 40 : i32
    return
  }
}

</mosaic_0001>

<sc_bundles>
// kernel: gather_offload_async_start
scs
__scs_entry_jumppad:
0x0: {  	(pc) =	sbr.rel $0x88, $3  }
0x1: {  	(tag) =	ssettag $0x0;
	lr =	simm.s32 $0x1  }
0x2: {  	[smem:$0x3F9F] =	sst lr;
	_ =	strace $0xD0000000  }
0x3: {  	_ = 	snop  }
0x4: {  	_ = 	snop  }
0x5: {  	_ = 	snop  }
0x6: {  	_ = 	snop  }
0x7: {  	_ = 	snop  }
__scs_overlays_trampoline_lowered:
0x8: {  	[smem:$0x3FAE] =	sst s0  }
0x9: {  	[smem:$0x3FAF] =	sst s1  }
0xa: {  	[smem:$0x3FB0] =	sst s2  }
0xb: {  	[smem:$0x3FB1] =	sst s3  }
0xc: {  	[smem:$0x3FB2] =	sst s4  }
0xd: {  	[smem:$0x3FB3] =	sst s5  }
0xe: {  	[smem:$0x3FB4] =	sst s6  }
0xf: {  	[smem:$0x3FB5] =	sst s7  }
0x10: {  	[smem:$0x3FB6] =	sst s8  }
0x11: {  	[smem:$0x3FB7] =	sst s9;
	s0 =	simm.s32 @!p0 $0x0  }
0x12: {  	s1 =	sld [smem:$0x3F9D];
	s0 =	simm.s32 @p0 $0x1  }
0x13: {  	[smem:$0x3FB8] =	sst s0;
	s0 =	simm.s32 @!p1 $0x0  }
0x14: {  	s2 =	sld [smem:$0x3F9C];
	s0 =	simm.s32 @p1 $0x1  }
0x15: {  	[smem:$0x3FB9] =	sst s0;
	s0 =	simm.s32 @!p2 $0x0  }
0x16: {  	s3 =	sld [smem:$0x3FDB];
	s0 =	simm.s32 @p2 $0x1  }
0x17: {  	s4 =	simm.s32 $0x1BF5;
	[smem:$0x3FBB] =	sst s0  }
0x18: {  	s0 =	sld [smem:$0x3F9E];
	_ =	swait.ge [sflag:s4], $0x0  }
0x19: {  	s7 =	sld [smem:$0x3F9F]  }
0x1a: {  	s8 =	sadd.s32 $0xFFFFE003, lr  }
0x1b: {  	s9 =	sadd.s32 $0xFFFFFEF7, lr;
	s5 =	simm.s32 $0xFFFFFFFF;
	p2 =	slt.u32 s8, $0xFFFFF086  }
0x1c: {  	p1 =	slt.u32 s9, $0xF7A;
	s5 =	simm.s32 @!p2 $0x0  }
0x1d: {  	s5 =	simm.s32 @p1 $0x1;
	p0 =	seq.s32 s7, s2  }
0x1e: {  	s7 =	smul.u32 @!p0 $0xF7A, s2;
	p2 =	seq.s32 @!p0 s5, $0x0  }
0x1f: {  	s9 =	smul.u32 $0xF7A, s1;
	s8 =	simm.s32 @!p0 $0x1BF5;
	p2 =	por !p2, p0  }
0x20: {  	[sflag:s8] =	ssyncset.s32 @!p0 $0xFFFFF086;
	s6 =	sadd.s32 @!p0 s3, s7;
	s7 =	simm.s32 @!p0 $0x108  }
0x21: {  	s3 =	sadd.s32 s3, s9;
	s6 =	sadd.s32 @!p0 $0x88, s6;
	s7 =	simm.s32 @p2 $0x1082  }
0x22: {  	[simem:s7], [sflag:s8] =	dma.local @!p0 [hbm:s6], $0xF7A  }
0x23: {  	s9 =	sor.u32 $0xD0000000, s2;
	s6 =	simm.s32 $0x108;
	_ =	swait.ge @!p0 [sflag:s8], $0x0  }
0x24: {  	s3 =	sadd.s32 $0x88, s3;
	s6 =	simm.s32 @!p1 $0x1082;
	[sflag:s4] =	ssyncset.s32 $0xFFFFF086  }
0x25: {  	[simem:s6], [sflag:s4] =	dma.local [hbm:s3], $0xF7A  }
0x26: {  	[smem:$0x3F9F] =	sst s1;
	(tag) =	ssettag s2;
	_ =	strace s9  }
0x27: {  	s1 =	sld [smem:$0x3FAF]  }
0x28: {  	s2 =	sld [smem:$0x3FB0]  }
0x29: {  	s4 =	sld [smem:$0x3FB2]  }
0x2a: {  	p0 =	seq.s32 s5, $0x0;
	s5 =	sld [smem:$0x3FB3]  }
0x2b: {  	s6 =	sld [smem:$0x3FB4]  }
0x2c: {  	s7 =	sld [smem:$0x3FB5]  }
0x2d: {  	s3 =	simm.s32 $0x108;
	s8 =	sld [smem:$0x3FB6]  }
0x2e: {  	s3 =	simm.s32 @!p0 $0x1082;
	s9 =	sld [smem:$0x3FB7]  }
0x2f: {  	lr =	sadd.s32 s0, s3;
	s0 =	sld [smem:$0x3FAE]  }
0x30: {  	s3 =	sld [smem:$0x3FB1]  }
0x31: {  	[smem:$0x3FBA] =	sst s10  }
0x32: {  	s10 =	sld [smem:$0x3FB8];
	_ =	sdelay $0x3  }
0x33: {  	p0 =	seq.s32 s10, $0x1;
	s10 =	sld [smem:$0x3FBA];
	_ =	sdelay $0x3  }
0x34: {  	[smem:$0x3FBA] =	sst s10  }
0x35: {  	s10 =	sld [smem:$0x3FB9];
	_ =	sdelay $0x3  }
0x36: {  	p1 =	seq.s32 s10, $0x1;
	s10 =	sld [smem:$0x3FBA];
	_ =	sdelay $0x3  }
0x37: {  	[smem:$0x3FBA] =	sst s10  }
0x38: {  	s10 =	sld [smem:$0x3FBB]  }
0x39: {  	_ = 	snop;
	(pc) =	sbr.ind lr, $3  }
0x3a: {  	_ = 	snop  }
0x3b: {  	_ = 	snop  }
0x3c: {  	p2 =	seq.s32 s10, $0x1;
	s10 =	sld [smem:$0x3FBA]  }
0x3d: {  	_ =	shalt  }
0x3e: {  	_ =	shalt  }
0x3f: {  	_ =	shalt  }
0x40: {  	_ =	shalt  }
0x41: {  	_ =	shalt  }
0x42: {  	_ =	shalt  }
0x43: {  	_ =	shalt  }
0x44: {  	_ =	shalt  }
0x45: {  	_ =	shalt  }
0x46: {  	_ =	shalt  }
0x47: {  	_ =	shalt  }
0x48: {  	_ =	shalt  }
0x49: {  	_ =	shalt  }
0x4a: {  	_ =	shalt  }
0x4b: {  	_ =	shalt  }
0x4c: {  	_ =	shalt  }
0x4d: {  	_ =	shalt  }
0x4e: {  	_ =	shalt  }
0x4f: {  	_ =	shalt  }
0x50: {  	_ =	shalt  }
0x51: {  	_ =	shalt  }
0x52: {  	_ =	shalt  }
0x53: {  	_ =	shalt  }
0x54: {  	_ =	shalt  }
0x55: {  	_ =	shalt  }
0x56: {  	_ =	shalt  }
0x57: {  	_ =	shalt  }
0x58: {  	_ =	shalt  }
0x59: {  	_ =	shalt  }
0x5a: {  	_ =	shalt  }
0x5b: {  	_ =	shalt  }
0x5c: {  	_ =	shalt  }
0x5d: {  	_ =	shalt  }
0x5e: {  	_ =	shalt  }
0x5f: {  	_ =	shalt  }
0x60: {  	_ =	shalt  }
0x61: {  	_ =	shalt  }
0x62: {  	_ =	shalt  }
0x63: {  	_ =	shalt  }
0x64: {  	_ =	shalt  }
0x65: {  	_ =	shalt  }
0x66: {  	_ =	shalt  }
0x67: {  	_ =	shalt  }
0x68: {  	_ =	shalt  }
0x69: {  	_ =	shalt  }
0x6a: {  	_ =	shalt  }
0x6b: {  	_ =	shalt  }
0x6c: {  	_ =	shalt  }
0x6d: {  	_ =	shalt  }
0x6e: {  	_ =	shalt  }
0x6f: {  	_ =	shalt  }
0x70: {  	_ =	shalt  }
0x71: {  	_ =	shalt  }
0x72: {  	_ =	shalt  }
0x73: {  	_ =	shalt  }
0x74: {  	_ =	shalt  }
0x75: {  	_ =	shalt  }
0x76: {  	_ =	shalt  }
0x77: {  	_ =	shalt  }
0x78: {  	_ =	shalt  }
0x79: {  	_ =	shalt  }
0x7a: {  	_ =	shalt  }
0x7b: {  	_ =	shalt  }
0x7c: {  	_ =	shalt  }
0x7d: {  	_ =	shalt  }
0x7e: {  	_ =	shalt  }
0x7f: {  	_ =	shalt  }
0x80: {  	_ =	shalt  }
0x81: {  	_ =	shalt  }
0x82: {  	_ =	shalt  }
0x83: {  	_ =	shalt  }
0x84: {  	_ =	shalt  }
0x85: {  	_ =	shalt  }
0x86: {  	_ =	shalt  }
0x87: {  	_ =	shalt  }
.Lfunc_end0:
.L_simem_size_0:
called_computation_lowered:
.L_overlay_start_0:
0x88: {  	s0 =	sld [smem:$0x3FD9]  }
0x89: {  	s1 =	sld [smem:$0x3FFE];
	_ =	sdelay $0x3  }
0x8a: {  	s0 =	sadd.s32 s1, s0  }
0x8b: {  	[smem:$0x3FC6] =	sst s0  }
0x8c: {  	_ = 	snop  }
0x8d: {  	s0 =	sld [smem:$0x3FD0];
	(tm) =	ssettm $0x1  }
0x8e: {  	s16 =	sld [smem:$0x3FFB];
	_ =	sdelay $0x3  }
0x8f: {  	_ =	strace s16  }
0x90: {  	s1 =	sld [smem:$0x3FFC];
	_ =	sdelay $0x3  }
0x91: {  	_ =	strace s1  }
0x92: {  	s1 =	sld [smem:$0x3FFD];
	_ =	sdelay $0x3  }
0x93: {  	_ =	strace s1  }
0x94: {  	_ =	strace $0x8FFFFFFF  }
0x95: {  	s17 =	sld [smem:$0x3FDB];
	_ =	sdelay $0x1  }
0x96: {  	s2 =	simm.s32 $_scs_section_size  }
0x97: {  	s3 =	simm.s32 $_size__tile_overlayer_lowered;
	s4 =	simm.s32 $_tile_overlayer_lowered  }
0x98: {  	s20 =	simm.s32 $0x1BFF;
	s19 =	sshll.u32 s4, $0x1;
	s1 =	sadd.s32 s2, s17  }
0x99: {  	s5 =	simm.s32 $0x0;
	s18 =	sshll.u32 s3, $0x1;
	s3 =	sadd.s32 s19, s1  }
0x9a: {  	[timem:s5], [sflag:s20] =	dma.local [hbm:s3], s18  }
0x9b: {  	_ =	swait.ge [sflag:s20], s18  }
0x9c: {  	s2 =	ssub.s32 $0x0, s18;
	[sflag:s20] =	ssyncset.done $0x0  }
0x9d: {  	[sflag:s20] =	ssyncadd.s32 s2;
	_ =	sdelay $0x1  }
0x9e: {  	s21 =	simm.s32 $0x1B8B  }
0x9f: {  	_ =	swait.ge [sflag:s21], $0x1  }
0xa0: {  	[sflag:s21] =	ssyncset.done $0x0  }
0xa1: {  	s23 =	simm.s32 $0x1B8E;
	s22 =	sld [smem:$0x3FFE];
	[sflag:s21] =	ssyncadd.s32 $0xFFFFFFFF  }
0xa2: {  	s24 =	simm.s32 $execute0_lowered;
	[smem:$0x3FD2] =	sst s23  }
0xa3: {  	s3 =	sshll.u32 s24, $0x1;
	_ =	strace $0x80000046;
	[dreg:$0x1] =	wrdreg $0xFFFFFFFF  }
0xa4: {  	s25 =	simm.s32 $_size_execute0_lowered;
	s1 =	sadd.s32 s1, s3;
	[dreg:$0x0] =	wrdreg $0x0  }
0xa5: {  	s3 =	sshll.u32 s25, $0x1;
	[dreg:$0x2] =	wrdreg s1  }
0xa6: {  	[dreg:$0x3] =	wrdreg s3  }
0xa7: {  	[dreg:$0x4] =	wrdreg $0xC0  }
0xa8: {  	_ =	task [dreg:s5], $0x5FFFF  }
0xa9: {  	[dreg:$0x1] =	wrdreg $0xFFFFFFFF  }
0xaa: {  	[dreg:$0x0] =	wrdreg $0x60  }
0xab: {  	[dreg:$0x2] =	wrdreg s22  }
0xac: {  	[dreg:$0x3] =	wrdreg s0  }
0xad: {  	[dreg:$0x4] =	wrdreg $0x9  }
0xae: {  	_ =	task.clear_ibuf [dreg:s5], $0x5FFFF;
	_ =	strace $0x90000046  }
0xaf: {  	s26 =	simm.s32 $0x9;
	_ =	strace $0x80000048  }
0xb0: {  	_ =	swait.ge [sflag:s26], $0x1  }
0xb1: {  	[sflag:s26] =	ssyncadd.s32 $0xFFFFFFFF  }
0xb2: {  	_ =	strace $0x90000048  }
0xb3: {  	_ =	sfence  }
0xb4: {  	s28 =	sld [smem:$0x0];
	_ =	sdelay $0x1  }
0xb5: {  	s29 =	srdreg.scid  }
0xb6: {  	s30 =	sshll.u32 s29, $0xD;
	s31 =	sshrl.u32 s29, $0x2  }
0xb7: {  	s2 =	sand.u32 $0x4000, s30;
	s1 =	sand.u32 $0x1, s29;
	s0 =	sadd.s32 s31, s28  }
0xb8: {  	s1 =	sor.u32 s2, s1;
	s0 =	sshll.u32 s0, $0x11  }
0xb9: {  	s0 =	sor.u32 s0, s1  }
0xba: {  	s0 =	sadd.s32 $0x8F2B, s0  }
0xbb: {  	[sflag:s0] =	ssyncadd.remote.s32 $0x1  }
0xbc: {  	_ =	sfence.sel $0xFFFF  }
0xbd: {  	[dreg:$0x0] =	wrdreg $0xFFFFFFFF;
	(pc) =	sbr.abs _section_cstart, $3  }
0xbe: {  	[dreg:$0x1] =	wrdreg $0xFFFFFFFF  }
0xbf: {  	_ =	task.clear_ibuf [dreg:s5], $0x2FFFF;
	_ =	strace $0x9FFFFFFF  }
0xc0: {  	(tm) =	ssettm $0x7FFFFFFF  }
0xc1: {  	_ =	shalt  }
tec
execute0_lowered:
.L_overlay_start_1:
0x0: {  	(tag) =	ssettag $0x1  }
0x1: {  	s0 =	stileid.u32  }
0x2: {  	s1 =	smin.u32 s0, $0x9  }
0x3: {  	s1 =	sadd.s32 s0, s1  }
0x4: {  	s2 =	simm.s32 $0x190;
	p0 =	slt.u32 s0, $0x9;
	s1 =	smul.u32 $0xC8, s1  }
0x5: {  	s2 =	simm.s32 @!p0 $0xC8  }
0x6: {  	s2 =	sadd.s32 s2, s1  }
0x7: {  	s3 =	smin.u32 s2, $0x1388  }
0x8: {  	s7 =	ssub.s32 s3, s1  }
0x9: {  	p0 =	sgt.s32 s7, $0x0  }
0xa: {  	s7 =	simm.s32 @!p0 $0x0  }
0xb: {  	s31 =	sand.u32 $0xFFF8, s7  }
0xc: {  	s2 =	sshrl.u32 s31, $0x3  }
0xd: {  	s4 =	rddreg [dreg:$0x0];
	s2 =	smul.u32 $0x147B, s2  }
0xe: {  	s5 =	rddreg [dreg:$0x1]  }
0xf: {  	s6 =	simm.s32 $0x1;
	s10 =	simm.s32 $0x3;
	s8 =	sshrl.u32 s2, $0x11  }
0x10: {  	s13 =	simm.s32 $0x0;
	s12 =	simm.s32 $0x0;
	s9 =	smul.u32 $0xC8, s8  }
.Ltmp0:
0x11: {  	s11 =	smov.u32 s1;
	s2 =	rddreg [dreg:$0x2];
	(pc) =	sbr.rel .LBB2_1-.Ltmp0, $4  }
0x12: {  	_ =	strace $0x80000047;
	p0 =	sne.s32 s7, s9;
	s9 =	simm.s32 $0x1  }
0x13: {  	[sflag:s6] =	ssyncpa.u1 $0x0;
	s7 =	simm.s32 $0x2;
	s9 =	simm.s32 @!p0 $0x0  }
0x14: {  	[sflag:s7] =	ssyncpa.u1 $0x0;
	p0 =	por $0x0, $0x0;
	s8 =	sadd.s32 s8, s9  }
0x15: {  	vm0 =	vmmov $0xff;
	vm1 =	vcmask $0x3F20;
	s9 =	sadd.s32 $0x13A00, s4;
	[sflag:s10] =	ssyncpa.u1 $0x0;
	s10 =	sadd.s32 $0x1, s8  }
.LBB2_6:
0x16: {  	[hbm:s17] =	stream.linear.scatter [tilespmem:s14], [sflag:$0x3], $0x400, $0x38;
	[tilespmem:$0xC990] =	vst v63  }
.LBB2_7:
0x17: {  	s13 =	sadd.s32 $0xC8, s11  }
0x18: {  	s15 =	smov.u32 s1;
	p2 =	slt.s32 s13, s3  }
0x19: {  	s15 =	smov.u32 @p2 s13;
	p2 =	sne.s32 s12, s10  }
.Ltmp1:
0x1a: {  	p1 =	slt.u32 s12, $0x2;
	(pc) =	sbr.rel @!p2 .LBB2_8-.Ltmp1, $4  }
0x1b: {  	s14 =	simm.s32 @!p1 $0x3  }
0x1c: {  	s16 =	sadd.s32 $0x1, s12;
	_ =	swait.ge @!p1 [sflag:s14], $0x6400  }
0x1d: {  	p0 =	por !p0, !p0;
	s13 =	smov.u32 s11;
	[sflag:s14] =	ssyncset.done @!p1 $0x0  }
0x1e: {  	s12 =	smov.u32 s16;
	s11 =	smov.u32 s15;
	[sflag:s14] =	ssyncadd.s32 @!p1 $0xFFFF9C00  }
.LBB2_1:
0x1f: {  	p1 =	sge.u32 s12, s8  }
0x20: {  	s14 =	sxor.u32 @!p1 $0xFFFFFFFF, s12  }
0x21: {  	s14 =	sand.u32 @!p1 $0x1, s14  }
0x22: {  	s14 =	smul.u32 @!p1 $0x320, s14  }
0x23: {  	s31 =	sadd.s32 $0xFFFFFFFF, s12;
	s15 =	sshrl.u32 @!p1 s11, $0x3  }
0x24: {  	s16 =	sand.u32 @!p1 $0x7, s11;
	s15 =	sadd.s32 @!p1 s5, s15;
	s14 =	sshrl.u32 @!p1 s14, $0x2  }
0x25: {  	[tilespmem:s14], [sflag:$0x2] =	stream.linear.gather @!p1 [hbm4b:s15+s16], $0xC8, $0x38;
	[tilespmem:$0xC990] =	vst v63  }
0x26: {  	p1 =	sge.u32 s31, s8  }
.Ltmp2:
0x27: {  	_ = 	snop;
	(pc) =	sbr.rel @p1 .LBB2_7-.Ltmp2, $1  }
0x28: {  	_ =	sdelay $0x3  }
0x29: {  	s14 =	simm.s32 $0x1  }
0x2a: {  	s14 =	simm.s32 @!p0 $0x0  }
0x2b: {  	s15 =	smul.u32 $0x320, s14  }
0x2c: {  	_ =	swait.ge [sflag:s7], $0xC8  }
0x2d: {  	[sflag:s7] =	ssyncset.done $0x0;
	s16 =	sshrl.u32 s15, $0x2  }
0x2e: {  	[sflag:s7] =	ssyncadd.s32 $0xFFFFFF38;
	s15 =	sadd.s32 $0x0, s16  }
0x2f: {  	v0 =	vld.msk [tilespmem:s15+$0x0 ss:$0x1], $0xffff;
	_ =	sdelay $0x4  }
0x30: {  	vm2 =	vgt.s32 v0, $0x0  }
0x31: {  	v0 =	vnsel vm2, $0x0, v0  }
0x32: {  	v0 =	vmin.u32 v0, $0x1387  }
0x33: {  	v0 =	vshll.u32 v0, $0x4  }
0x34: {  	s14 =	smul.u32 $0x19000, s14  }
0x35: {  	s31 =	sand.u32 $0x1, s12  }
0x36: {  	s17 =	smul.u32 $0x320, s31;
	s14 =	sshrl.u32 s14, $0x2  }
0x37: {  	s19 =	smul.u32 $0x19000, s31;
	s14 =	sor.u32 $0x190, s14  }
0x38: {  	[tilespmem:s14], [sflag:$0x1] =	stream.indirect_vreg.gather [hbm:s4], $0x80, v0, vm0, $0x38;
	[tilespmem:$0xC990] =	vst v63  }
0x39: {  	s18 =	sshrl.u32 s17, $0x2;
	s20 =	sadd.s32 $0x10, s16;
	s15 =	sadd.s32 $0x400, s14  }
0x3a: {  	[tilespmem:s15], [sflag:$0x1] =	stream.indirect_vreg.gather [hbm:s4], $0x80, v0, vm1, $0x38;
	[tilespmem:$0xC990] =	vst v63  }
0x3b: {  	s17 =	sshrl.u32 s19, $0x2;
	s19 =	smov.u32 s14;
	v0 =	vld.msk [tilespmem:s20+$0x0 ss:$0x1], $0xffff;
	s20 =	simm.s32 $0x80  }
.LBB2_3:
0x3c: {  	p1 =	sne.s32 s20, $0x2C0;
	_ =	sdelay $0x4  }
0x3d: {  	vm2 =	vgt.s32 v0, $0x0  }
0x3e: {  	v0 =	vnsel vm2, $0x0, v0  }
0x3f: {  	v0 =	vmin.u32 v0, $0x1387  }
0x40: {  	v0 =	vshll.u32 v0, $0x4;
	_ =	sdelay $0x3  }
.Ltmp3:
0x41: {  	s21 =	sshra.s32 s20, $0x2;
	s19 =	sadd.s32 $0x800, s19;
	(pc) =	sbr.rel @p1 .LBB2_3-.Ltmp3, $4  }
0x42: {  	[tilespmem:s19], [sflag:$0x1] =	stream.indirect_vreg.gather [hbm:s4], $0x80, v0, vm0, $0x38;
	[tilespmem:$0xC990] =	vst v63  }
0x43: {  	s21 =	sadd.s32 s21, s16;
	s22 =	sadd.s32 $0x400, s19  }
0x44: {  	[tilespmem:s22], [sflag:$0x1] =	stream.indirect_vreg.gather [hbm:s4], $0x80, v0, vm1, $0x38;
	[tilespmem:$0xC990] =	vst v63  }
0x45: {  	s20 =	sadd.s32 $0x40, s20;
	v0 =	vld.msk [tilespmem:s21+$0x0 ss:$0x1], $0xffff  }
0x46: {  	_ =	sdelay $0x3  }
0x47: {  	vm2 =	vgt.s32 v0, $0x0  }
0x48: {  	v0 =	vnsel vm2, $0x0, v0  }
0x49: {  	v0 =	vmin.u32 v0, $0x1387  }
0x4a: {  	v0 =	vshll.u32 v0, $0x4;
	_ =	sdelay $0x3  }
0x4b: {  	s16 =	sadd.s32 $0x800, s19  }
0x4c: {  	[tilespmem:s16], [sflag:$0x1] =	stream.indirect_vreg.gather [hbm:s4], $0x80, v0, vm0, $0x38;
	[tilespmem:$0xC990] =	vst v63  }
0x4d: {  	s16 =	sadd.s32 $0x400, s16  }
0x4e: {  	[tilespmem:s16], [sflag:$0x1] =	stream.indirect_vreg.gather [hbm:s4], $0x80, v0, vm1, $0x38;
	[tilespmem:$0xC990] =	vst v63  }
0x4f: {  	v0 =	vld.msk [tilespmem:s18+$0xC0 ss:$0x1], $0xff;
	_ =	sdelay $0x4  }
0x50: {  	vm2 =	vgt.s32 v0, $0x0  }
0x51: {  	v0 =	vnsel vm2, $0x0, v0  }
0x52: {  	v0 =	vmin.u32 v0, $0x1387  }
0x53: {  	v0 =	vshll.u32 v0, $0x4;
	_ =	sdelay $0x3  }
0x54: {  	s31 =	sadd.s32 $0x6190, s17  }
0x55: {  	[tilespmem:s31], [sflag:$0x1] =	stream.indirect_vreg.gather [hbm:s4], $0x80, v0, vm0, $0x38;
	[tilespmem:$0xC990] =	vst v63  }
0x56: {  	s13 =	sshll.u32 s13, $0x4;
	_ =	swait.ge [sflag:s6], $0x6400  }
0x57: {  	s13 =	sadd.s32 s13, s9;
	[sflag:s6] =	ssyncset.done $0x0  }
0x58: {  	s17 =	sadd.s32 $0x0, s13;
	s16 =	simm.s32 $0x80;
	[sflag:s6] =	ssyncadd.s32 $0xFFFF9C00  }
.LBB2_5:
0x59: {  	[hbm:s17] =	stream.linear.scatter [tilespmem:s14], [sflag:$0x3], $0x400, $0x38;
	[tilespmem:$0xC990] =	vst v63  }
0x5a: {  	s17 =	smov.u32 s16;
	s14 =	smov.u32 s15;
	p1 =	sne.s32 s16, $0xC00  }
.Ltmp4:
0x5b: {  	s16 =	sadd.s32 $0x80, s16;
	(pc) =	sbr.rel @p1 .LBB2_5-.Ltmp4, $2  }
0x5c: {  	_ =	sdelay $0x2  }
0x5d: {  	s15 =	sadd.s32 $0x400, s15;
	s17 =	sadd.s32 s17, s13  }
.Ltmp5:
0x5e: {  	_ = 	snop;
	(pc) =	sbr.rel .LBB2_6-.Ltmp5, $1  }
0x5f: {  	_ =	sdelay $0x3  }
.LBB2_8:
0x60: {  	_ =	sfence.sel $0x180000  }
0x61: {  	s1 =	simm.s32 $0x2;
	[bflag:$0x0] =	sbarrier.arrive $0xFFFF  }
0x62: {  	s30 =	simm.s32 $0x3;
	[sflag:s1] =	ssyncpa.u1 $0x1  }
0x63: {  	s31 =	simm.s32 $0x1;
	[sflag:s30] =	ssyncpa.u1 $0x1  }
0x64: {  	[sflag:s31] =	ssyncpa.u1 $0x1  }
0x65: {  	p0 =	sne.s32 s0, $0x0;
	_ =	strace $0x90000047  }
0x66: {  	s0 =	sadd.s32 @!p0 $0x100000, s2;
	[bflag:$0x2] =	sbarrier.arrive $0xFFFF  }
0x67: {  	[sflag:s0] =	ssyncadd.tile.s32 @!p0 $0x1;
	_ =	shalt  }
.Lfunc_end2:
_tile_overlayer_lowered:
.L_overlay_start_2:
0x68: {  	(tag) =	ssettag $0x2  }
0x69: {  	s0 =	rddreg [dreg:$0x0];
	s2 =	stileid.u32  }
0x6a: {  	s1 =	rddreg [dreg:$0x1];
	p0 =	sne.s32 s2, $0x0  }
0x6b: {  	s3 =	rddreg [dreg:$0x2];
	[bflag:$0x3] =	sbarrier.arrive $0xFFFF;
	s2 =	simm.s32 @!p0 $0x1C01  }
0x6c: {  	[timem:s3], [sflag:s2] =	dma.local @!p0 [hbm:s0], s1  }
0x6d: {  	s0 =	simm.s32 @!p0 $0x1  }
0x6e: {  	_ =	swait.ge @!p0 [sflag:s0], s1  }
0x6f: {  	s1 =	ssub.s32 @!p0 $0x0, s1;
	[sflag:s0] =	ssyncset.done @!p0 $0x0  }
0x70: {  	[sflag:s0] =	ssyncadd.s32 @!p0 s1  }
0x71: {  	[bflag:$0x3] =	sbarrier.arrive $0xFFFF  }
0x72: {  	_ =	shalt  }

</sc_bundles>
